<compile_context>
chip_gen: v7x
topology: tpu7x:2x2x1
jax: 0.10.2.dev20260603
libtpu: 0.0.44.dev20260713+nightly
codegen_flags: <defaults>
</compile_context>

<pallas_src>
import functools

import jax
import jax.numpy as jnp
from jax import lax
from jax.experimental import pallas as pl
from jax.experimental.pallas import tpu as pltpu
from jax.experimental.pallas import tpu_sc as plsc

DEPTH = 256
N = 262144
NUM_CORES = 2
NUM_SUBCORES = 16
NUM_WORKERS = NUM_CORES * NUM_SUBCORES
ROWS_PER_WORKER = N // NUM_WORKERS
CHUNK = 128
NUM_CHUNKS = ROWS_PER_WORKER // CHUNK
NBUF = 2
LANES = 16
GROUPS = CHUNK // LANES

_MESH = plsc.VectorSubcoreMesh(
    core_axis_name="c", subcore_axis_name="s",
    num_cores=NUM_CORES, num_subcores=NUM_SUBCORES,
)


@functools.partial(
    pl.kernel,
    mesh=_MESH,
    compiler_params=pltpu.CompilerParams(needs_layout_passes=False),
    out_type=jax.ShapeDtypeStruct((N, DEPTH), jnp.float32),
    scratch_types=[
        pltpu.VMEM((ROWS_PER_WORKER,), jnp.int32),
        [pltpu.VMEM((CHUNK, DEPTH), jnp.float32) for _ in range(NBUF)],
        [pltpu.SemaphoreType.DMA for _ in range(NBUF)],
        pltpu.SemaphoreType.DMA,
    ],
)
def _one_hot_sc(idx_hbm, out_hbm, idx_v, rows_v, osems, isem):
    wid = lax.axis_index("s") * NUM_CORES + lax.axis_index("c")
    base = wid * ROWS_PER_WORKER

    idx_copy = pltpu.async_copy(
        idx_hbm.at[pl.ds(base, ROWS_PER_WORKER)], idx_v, isem)

    row_ids = [lax.iota(jnp.int32, LANES) + g * LANES for g in range(GROUPS)]
    one_vec = jnp.full((LANES,), 1.0, jnp.float32)
    zero_vec = jnp.zeros((LANES,), jnp.float32)

    def zbody(j, _):
        for b in range(NBUF):
            for u in range(DEPTH // LANES):
                rows_v[b][j, pl.ds(u * LANES, LANES)] = zero_vec
        return 0

    lax.fori_loop(0, CHUNK, zbody, 0)
    idx_copy.wait()

    def scatter(t, b, val):
        for g in range(GROUPS):
            cols = idx_v[pl.ds(t * CHUNK + g * LANES, LANES)]
            plsc.store_scatter(rows_v[b], [row_ids[g], cols], val)

    def fire_out(t, b):
        pltpu.async_copy(
            rows_v[b], out_hbm.at[pl.ds(base + t * CHUNK, CHUNK)], osems[b])

    def wait_out(t, b):
        pltpu.make_async_copy(
            rows_v[b], out_hbm.at[pl.ds(base + t * CHUNK, CHUNK)], osems[b]
        ).wait()

    for b in range(NBUF):
        scatter(b, b, one_vec)
        fire_out(b, b)

    def body(i, _):
        t0 = i * NBUF
        for b in range(NBUF):
            wait_out(t0 - NBUF + b, b)
            scatter(t0 - NBUF + b, b, zero_vec)
            scatter(t0 + b, b, one_vec)
            fire_out(t0 + b, b)
        return 0

    lax.fori_loop(1, NUM_CHUNKS // NBUF, body, 0)

    for b in range(NBUF):
        wait_out(NUM_CHUNKS - NBUF + b, b)


def kernel(X_in, ones):
    del ones
    idx = X_in.astype(jnp.int32)
    return _one_hot_sc(idx)

# --- scband reference (transcript-rebuilt; emitter-appended) ---
"""Pipeline reference for scband-one-hot-58523224376008 (READ-ONLY COPY).

The authoritative reference and input builder live on the scoring server;
editing this copy changes nothing except your own understanding.
"""

import jax, jax.numpy as jnp
import numpy as np

DEPTH = 256
N = 262144

def setup_inputs(seed: int = 0) -> dict:
    key = jax.random.key(seed)
    k1, _ = jax.random.split(key)
    X_in = jax.random.randint(k1, (N,), 0, DEPTH, dtype=jnp.int64)
    ones = jnp.eye(DEPTH, dtype=jnp.float32)
    return {"X_in": X_in, "ones": ones}

def reference(X_in, ones):
    # torch: self.ones.index_select(0, X_in) -> row gather from identity matrix
    idx = X_in.astype(jnp.int32)
    return jnp.take(ones, idx, axis=0)

if __name__ == "__main__":
    import jax
    _d = setup_inputs()
    print(jax.jit(kernel)(*tuple(_d.values())))

</pallas_src>

<mosaic_0001>
#map = affine_map<(d0, d1) -> (0)>
#map1 = affine_map<(d0, d1) -> (0, 0)>
module attributes {stable_mosaic.version = 14 : i64} {
  func.func @_one_hot_sc(%arg0: i32, %arg1: i32, %arg2: memref<262144xi32, #tpu.memory_space<hbm>>, %arg3: memref<262144x256xf32, #tpu.memory_space<hbm>>, %arg4: memref<8192xi32, #tpu.memory_space<vmem>>, %arg5: memref<128x256xf32, #tpu.memory_space<vmem>>, %arg6: memref<128x256xf32, #tpu.memory_space<vmem>>, %arg7: memref<!tpu.dma_semaphore, #tpu.memory_space<semaphore_mem>>, %arg8: memref<!tpu.dma_semaphore, #tpu.memory_space<semaphore_mem>>, %arg9: memref<!tpu.dma_semaphore, #tpu.memory_space<semaphore_mem>>) attributes {dimension_semantics = [#tpu.dimension_semantics<core_parallel>, #tpu.dimension_semantics<subcore_parallel>], iteration_bounds = array<i64: 2, 16>, scalar_prefetch = 0 : i64, scratch_operands = 6 : i64, tpu.core_type = #tpu.core_type<sc_vector_subcore>, window_params = [{transform_indices = #map}, {transform_indices = #map1}]} {
    %mul3A = arith.constant 2 : i32
    %mul3A_0 = arith.muli %arg1, %mul3A : i32
    %add3A = arith.addi %mul3A_0, %arg0 : i32
    %mul3A_1 = arith.constant 8192 : i32
    %mul3A_2 = arith.muli %add3A, %mul3A_1 : i32
    %dma_start3A = tpu.memref_slice %arg2[%mul3A_2] : memref<262144xi32, #tpu.memory_space<hbm>> -> memref<8192xi32, #tpu.memory_space<hbm>>
    %dma_start3A_3 = tpu.memref_slice %arg2[%mul3A_2] : memref<262144xi32, #tpu.memory_space<hbm>> -> memref<8192xi32, #tpu.memory_space<hbm>>
    tpu.enqueue_dma source(%dma_start3A_3 : memref<8192xi32, #tpu.memory_space<hbm>>) target(%arg4 : memref<8192xi32, #tpu.memory_space<vmem>>) target_semaphore(%arg9 : memref<!tpu.dma_semaphore, #tpu.memory_space<semaphore_mem>>)
    %iota3A = tpu.iota {dimensions = array<i32: 0>} : vector<16xi32>
    %add3A_4 = arith.constant 0 : i32
    %add3A_5 = vector.broadcast %add3A_4 : i32 to vector<16xi32>
    %add3A_6 = arith.addi %iota3A, %add3A_5 : vector<16xi32>
    %iota3A_7 = tpu.iota {dimensions = array<i32: 0>} : vector<16xi32>
    %add3A_8 = arith.constant 16 : i32
    %add3A_9 = vector.broadcast %add3A_8 : i32 to vector<16xi32>
    %add3A_10 = arith.addi %iota3A_7, %add3A_9 : vector<16xi32>
    %iota3A_11 = tpu.iota {dimensions = array<i32: 0>} : vector<16xi32>
    %add3A_12 = arith.constant 32 : i32
    %add3A_13 = vector.broadcast %add3A_12 : i32 to vector<16xi32>
    %add3A_14 = arith.addi %iota3A_11, %add3A_13 : vector<16xi32>
    %iota3A_15 = tpu.iota {dimensions = array<i32: 0>} : vector<16xi32>
    %add3A_16 = arith.constant 48 : i32
    %add3A_17 = vector.broadcast %add3A_16 : i32 to vector<16xi32>
    %add3A_18 = arith.addi %iota3A_15, %add3A_17 : vector<16xi32>
    %iota3A_19 = tpu.iota {dimensions = array<i32: 0>} : vector<16xi32>
    %add3A_20 = arith.constant 64 : i32
    %add3A_21 = vector.broadcast %add3A_20 : i32 to vector<16xi32>
    %add3A_22 = arith.addi %iota3A_19, %add3A_21 : vector<16xi32>
    %iota3A_23 = tpu.iota {dimensions = array<i32: 0>} : vector<16xi32>
    %add3A_24 = arith.constant 80 : i32
    %add3A_25 = vector.broadcast %add3A_24 : i32 to vector<16xi32>
    %add3A_26 = arith.addi %iota3A_23, %add3A_25 : vector<16xi32>
    %iota3A_27 = tpu.iota {dimensions = array<i32: 0>} : vector<16xi32>
    %add3A_28 = arith.constant 96 : i32
    %add3A_29 = vector.broadcast %add3A_28 : i32 to vector<16xi32>
    %add3A_30 = arith.addi %iota3A_27, %add3A_29 : vector<16xi32>
    %iota3A_31 = tpu.iota {dimensions = array<i32: 0>} : vector<16xi32>
    %add3A_32 = arith.constant 112 : i32
    %add3A_33 = vector.broadcast %add3A_32 : i32 to vector<16xi32>
    %add3A_34 = arith.addi %iota3A_31, %add3A_33 : vector<16xi32>
    %broadcast_in_dim3A = arith.constant 1.000000e+00 : f32
    %broadcast_in_dim3A_35 = vector.broadcast %broadcast_in_dim3A : f32 to vector<16xf32>
    %broadcast_in_dim3A_36 = arith.constant 0.000000e+00 : f32
    %broadcast_in_dim3A_37 = vector.broadcast %broadcast_in_dim3A_36 : f32 to vector<16xf32>
    %scan3A = arith.constant 0 : i32
    %scan3A_38 = arith.constant 0 : i32
    %scan3A_39 = arith.constant 128 : i32
    %scan3A_40 = arith.addi %scan3A_38, %scan3A_39 : i32
    %scan3A_41 = arith.constant 1 : i32
    %scan3A_42 = scf.for %scan3A_107 = %scan3A_38 to %scan3A_40 step %scan3A_41 iter_args(%scan3A_108 = %scan3A) -> (i32)  : i32 {
      %swap3A = arith.index_cast %scan3A_107 : i32 to index
      %swap3A_109 = arith.constant 0 : index
      %swap3A_110 = tpu.vector_load %arg5[%swap3A, %swap3A_109] {strides = array<i32>} : memref<128x256xf32, #tpu.memory_space<vmem>>, vector<16xf32>,
      tpu.vector_store %arg5[%swap3A, %swap3A_109], %broadcast_in_dim3A_37 {strides = array<i32>} : memref<128x256xf32, #tpu.memory_space<vmem>>, vector<16xf32>,
      %swap3A_111 = arith.index_cast %scan3A_107 : i32 to index
      %swap3A_112 = arith.constant 16 : index
      %swap3A_113 = tpu.vector_load %arg5[%swap3A_111, %swap3A_112] {strides = array<i32>} : memref<128x256xf32, #tpu.memory_space<vmem>>, vector<16xf32>,
      tpu.vector_store %arg5[%swap3A_111, %swap3A_112], %broadcast_in_dim3A_37 {strides = array<i32>} : memref<128x256xf32, #tpu.memory_space<vmem>>, vector<16xf32>,
      %swap3A_114 = arith.index_cast %scan3A_107 : i32 to index
      %swap3A_115 = arith.constant 32 : index
      %swap3A_116 = tpu.vector_load %arg5[%swap3A_114, %swap3A_115] {strides = array<i32>} : memref<128x256xf32, #tpu.memory_space<vmem>>, vector<16xf32>,
      tpu.vector_store %arg5[%swap3A_114, %swap3A_115], %broadcast_in_dim3A_37 {strides = array<i32>} : memref<128x256xf32, #tpu.memory_space<vmem>>, vector<16xf32>,
      %swap3A_117 = arith.index_cast %scan3A_107 : i32 to index
      %swap3A_118 = arith.constant 48 : index
      %swap3A_119 = tpu.vector_load %arg5[%swap3A_117, %swap3A_118] {strides = array<i32>} : memref<128x256xf32, #tpu.memory_space<vmem>>, vector<16xf32>,
      tpu.vector_store %arg5[%swap3A_117, %swap3A_118], %broadcast_in_dim3A_37 {strides = array<i32>} : memref<128x256xf32, #tpu.memory_space<vmem>>, vector<16xf32>,
      %swap3A_120 = arith.index_cast %scan3A_107 : i32 to index
      %swap3A_121 = arith.constant 64 : index
      %swap3A_122 = tpu.vector_load %arg5[%swap3A_120, %swap3A_121] {strides = array<i32>} : memref<128x256xf32, #tpu.memory_space<vmem>>, vector<16xf32>,
      tpu.vector_store %arg5[%swap3A_120, %swap3A_121], %broadcast_in_dim3A_37 {strides = array<i32>} : memref<128x256xf32, #tpu.memory_space<vmem>>, vector<16xf32>,
      %swap3A_123 = arith.index_cast %scan3A_107 : i32 to index
      %swap3A_124 = arith.constant 80 : index
      %swap3A_125 = tpu.vector_load %arg5[%swap3A_123, %swap3A_124] {strides = array<i32>} : memref<128x256xf32, #tpu.memory_space<vmem>>, vector<16xf32>,
      tpu.vector_store %arg5[%swap3A_123, %swap3A_124], %broadcast_in_dim3A_37 {strides = array<i32>} : memref<128x256xf32, #tpu.memory_space<vmem>>, vector<16xf32>,
      %swap3A_126 = arith.index_cast %scan3A_107 : i32 to index
      %swap3A_127 = arith.constant 96 : index
      %swap3A_128 = tpu.vector_load %arg5[%swap3A_126, %swap3A_127] {strides = array<i32>} : memref<128x256xf32, #tpu.memory_space<vmem>>, vector<16xf32>,
      tpu.vector_store %arg5[%swap3A_126, %swap3A_127], %broadcast_in_dim3A_37 {strides = array<i32>} : memref<128x256xf32, #tpu.memory_space<vmem>>, vector<16xf32>,
      %swap3A_129 = arith.index_cast %scan3A_107 : i32 to index
      %swap3A_130 = arith.constant 112 : index
      %swap3A_131 = tpu.vector_load %arg5[%swap3A_129, %swap3A_130] {strides = array<i32>} : memref<128x256xf32, #tpu.memory_space<vmem>>, vector<16xf32>,
      tpu.vector_store %arg5[%swap3A_129, %swap3A_130], %broadcast_in_dim3A_37 {strides = array<i32>} : memref<128x256xf32, #tpu.memory_space<vmem>>, vector<16xf32>,
      %swap3A_132 = arith.index_cast %scan3A_107 : i32 to index
      %swap3A_133 = arith.constant 128 : index
      %swap3A_134 = tpu.vector_load %arg5[%swap3A_132, %swap3A_133] {strides = array<i32>} : memref<128x256xf32, #tpu.memory_space<vmem>>, vector<16xf32>,
      tpu.vector_store %arg5[%swap3A_132, %swap3A_133], %broadcast_in_dim3A_37 {strides = array<i32>} : memref<128x256xf32, #tpu.memory_space<vmem>>, vector<16xf32>,
      %swap3A_135 = arith.index_cast %scan3A_107 : i32 to index
      %swap3A_136 = arith.constant 144 : index
      %swap3A_137 = tpu.vector_load %arg5[%swap3A_135, %swap3A_136] {strides = array<i32>} : memref<128x256xf32, #tpu.memory_space<vmem>>, vector<16xf32>,
      tpu.vector_store %arg5[%swap3A_135, %swap3A_136], %broadcast_in_dim3A_37 {strides = array<i32>} : memref<128x256xf32, #tpu.memory_space<vmem>>, vector<16xf32>,
      %swap3A_138 = arith.index_cast %scan3A_107 : i32 to index
      %swap3A_139 = arith.constant 160 : index
      %swap3A_140 = tpu.vector_load %arg5[%swap3A_138, %swap3A_139] {strides = array<i32>} : memref<128x256xf32, #tpu.memory_space<vmem>>, vector<16xf32>,
      tpu.vector_store %arg5[%swap3A_138, %swap3A_139], %broadcast_in_dim3A_37 {strides = array<i32>} : memref<128x256xf32, #tpu.memory_space<vmem>>, vector<16xf32>,
      %swap3A_141 = arith.index_cast %scan3A_107 : i32 to index
      %swap3A_142 = arith.constant 176 : index
      %swap3A_143 = tpu.vector_load %arg5[%swap3A_141, %swap3A_142] {strides = array<i32>} : memref<128x256xf32, #tpu.memory_space<vmem>>, vector<16xf32>,
      tpu.vector_store %arg5[%swap3A_141, %swap3A_142], %broadcast_in_dim3A_37 {strides = array<i32>} : memref<128x256xf32, #tpu.memory_space<vmem>>, vector<16xf32>,
      %swap3A_144 = arith.index_cast %scan3A_107 : i32 to index
      %swap3A_145 = arith.constant 192 : index
      %swap3A_146 = tpu.vector_load %arg5[%swap3A_144, %swap3A_145] {strides = array<i32>} : memref<128x256xf32, #tpu.memory_space<vmem>>, vector<16xf32>,
      tpu.vector_store %arg5[%swap3A_144, %swap3A_145], %broadcast_in_dim3A_37 {strides = array<i32>} : memref<128x256xf32, #tpu.memory_space<vmem>>, vector<16xf32>,
      %swap3A_147 = arith.index_cast %scan3A_107 : i32 to index
      %swap3A_148 = arith.constant 208 : index
      %swap3A_149 = tpu.vector_load %arg5[%swap3A_147, %swap3A_148] {strides = array<i32>} : memref<128x256xf32, #tpu.memory_space<vmem>>, vector<16xf32>,
      tpu.vector_store %arg5[%swap3A_147, %swap3A_148], %broadcast_in_dim3A_37 {strides = array<i32>} : memref<128x256xf32, #tpu.memory_space<vmem>>, vector<16xf32>,
      %swap3A_150 = arith.index_cast %scan3A_107 : i32 to index
      %swap3A_151 = arith.constant 224 : index
      %swap3A_152 = tpu.vector_load %arg5[%swap3A_150, %swap3A_151] {strides = array<i32>} : memref<128x256xf32, #tpu.memory_space<vmem>>, vector<16xf32>,
      tpu.vector_store %arg5[%swap3A_150, %swap3A_151], %broadcast_in_dim3A_37 {strides = array<i32>} : memref<128x256xf32, #tpu.memory_space<vmem>>, vector<16xf32>,
      %swap3A_153 = arith.index_cast %scan3A_107 : i32 to index
      %swap3A_154 = arith.constant 240 : index
      %swap3A_155 = tpu.vector_load %arg5[%swap3A_153, %swap3A_154] {strides = array<i32>} : memref<128x256xf32, #tpu.memory_space<vmem>>, vector<16xf32>,
      tpu.vector_store %arg5[%swap3A_153, %swap3A_154], %broadcast_in_dim3A_37 {strides = array<i32>} : memref<128x256xf32, #tpu.memory_space<vmem>>, vector<16xf32>,
      %swap3A_156 = arith.index_cast %scan3A_107 : i32 to index
      %swap3A_157 = arith.constant 0 : index
      %swap3A_158 = tpu.vector_load %arg6[%swap3A_156, %swap3A_157] {strides = array<i32>} : memref<128x256xf32, #tpu.memory_space<vmem>>, vector<16xf32>,
      tpu.vector_store %arg6[%swap3A_156, %swap3A_157], %broadcast_in_dim3A_37 {strides = array<i32>} : memref<128x256xf32, #tpu.memory_space<vmem>>, vector<16xf32>,
      %swap3A_159 = arith.index_cast %scan3A_107 : i32 to index
      %swap3A_160 = arith.constant 16 : index
      %swap3A_161 = tpu.vector_load %arg6[%swap3A_159, %swap3A_160] {strides = array<i32>} : memref<128x256xf32, #tpu.memory_space<vmem>>, vector<16xf32>,
      tpu.vector_store %arg6[%swap3A_159, %swap3A_160], %broadcast_in_dim3A_37 {strides = array<i32>} : memref<128x256xf32, #tpu.memory_space<vmem>>, vector<16xf32>,
      %swap3A_162 = arith.index_cast %scan3A_107 : i32 to index
      %swap3A_163 = arith.constant 32 : index
      %swap3A_164 = tpu.vector_load %arg6[%swap3A_162, %swap3A_163] {strides = array<i32>} : memref<128x256xf32, #tpu.memory_space<vmem>>, vector<16xf32>,
      tpu.vector_store %arg6[%swap3A_162, %swap3A_163], %broadcast_in_dim3A_37 {strides = array<i32>} : memref<128x256xf32, #tpu.memory_space<vmem>>, vector<16xf32>,
      %swap3A_165 = arith.index_cast %scan3A_107 : i32 to index
      %swap3A_166 = arith.constant 48 : index
      %swap3A_167 = tpu.vector_load %arg6[%swap3A_165, %swap3A_166] {strides = array<i32>} : memref<128x256xf32, #tpu.memory_space<vmem>>, vector<16xf32>,
      tpu.vector_store %arg6[%swap3A_165, %swap3A_166], %broadcast_in_dim3A_37 {strides = array<i32>} : memref<128x256xf32, #tpu.memory_space<vmem>>, vector<16xf32>,
      %swap3A_168 = arith.index_cast %scan3A_107 : i32 to index
      %swap3A_169 = arith.constant 64 : index
      %swap3A_170 = tpu.vector_load %arg6[%swap3A_168, %swap3A_169] {strides = array<i32>} : memref<128x256xf32, #tpu.memory_space<vmem>>, vector<16xf32>,
      tpu.vector_store %arg6[%swap3A_168, %swap3A_169], %broadcast_in_dim3A_37 {strides = array<i32>} : memref<128x256xf32, #tpu.memory_space<vmem>>, vector<16xf32>,
      %swap3A_171 = arith.index_cast %scan3A_107 : i32 to index
      %swap3A_172 = arith.constant 80 : index
      %swap3A_173 = tpu.vector_load %arg6[%swap3A_171, %swap3A_172] {strides = array<i32>} : memref<128x256xf32, #tpu.memory_space<vmem>>, vector<16xf32>,
      tpu.vector_store %arg6[%swap3A_171, %swap3A_172], %broadcast_in_dim3A_37 {strides = array<i32>} : memref<128x256xf32, #tpu.memory_space<vmem>>, vector<16xf32>,
      %swap3A_174 = arith.index_cast %scan3A_107 : i32 to index
      %swap3A_175 = arith.constant 96 : index
      %swap3A_176 = tpu.vector_load %arg6[%swap3A_174, %swap3A_175] {strides = array<i32>} : memref<128x256xf32, #tpu.memory_space<vmem>>, vector<16xf32>,
      tpu.vector_store %arg6[%swap3A_174, %swap3A_175], %broadcast_in_dim3A_37 {strides = array<i32>} : memref<128x256xf32, #tpu.memory_space<vmem>>, vector<16xf32>,
      %swap3A_177 = arith.index_cast %scan3A_107 : i32 to index
      %swap3A_178 = arith.constant 112 : index
      %swap3A_179 = tpu.vector_load %arg6[%swap3A_177, %swap3A_178] {strides = array<i32>} : memref<128x256xf32, #tpu.memory_space<vmem>>, vector<16xf32>,
      tpu.vector_store %arg6[%swap3A_177, %swap3A_178], %broadcast_in_dim3A_37 {strides = array<i32>} : memref<128x256xf32, #tpu.memory_space<vmem>>, vector<16xf32>,
      %swap3A_180 = arith.index_cast %scan3A_107 : i32 to index
      %swap3A_181 = arith.constant 128 : index
      %swap3A_182 = tpu.vector_load %arg6[%swap3A_180, %swap3A_181] {strides = array<i32>} : memref<128x256xf32, #tpu.memory_space<vmem>>, vector<16xf32>,
      tpu.vector_store %arg6[%swap3A_180, %swap3A_181], %broadcast_in_dim3A_37 {strides = array<i32>} : memref<128x256xf32, #tpu.memory_space<vmem>>, vector<16xf32>,
      %swap3A_183 = arith.index_cast %scan3A_107 : i32 to index
      %swap3A_184 = arith.constant 144 : index
      %swap3A_185 = tpu.vector_load %arg6[%swap3A_183, %swap3A_184] {strides = array<i32>} : memref<128x256xf32, #tpu.memory_space<vmem>>, vector<16xf32>,
      tpu.vector_store %arg6[%swap3A_183, %swap3A_184], %broadcast_in_dim3A_37 {strides = array<i32>} : memref<128x256xf32, #tpu.memory_space<vmem>>, vector<16xf32>,
      %swap3A_186 = arith.index_cast %scan3A_107 : i32 to index
      %swap3A_187 = arith.constant 160 : index
      %swap3A_188 = tpu.vector_load %arg6[%swap3A_186, %swap3A_187] {strides = array<i32>} : memref<128x256xf32, #tpu.memory_space<vmem>>, vector<16xf32>,
      tpu.vector_store %arg6[%swap3A_186, %swap3A_187], %broadcast_in_dim3A_37 {strides = array<i32>} : memref<128x256xf32, #tpu.memory_space<vmem>>, vector<16xf32>,
      %swap3A_189 = arith.index_cast %scan3A_107 : i32 to index
      %swap3A_190 = arith.constant 176 : index
      %swap3A_191 = tpu.vector_load %arg6[%swap3A_189, %swap3A_190] {strides = array<i32>} : memref<128x256xf32, #tpu.memory_space<vmem>>, vector<16xf32>,
      tpu.vector_store %arg6[%swap3A_189, %swap3A_190], %broadcast_in_dim3A_37 {strides = array<i32>} : memref<128x256xf32, #tpu.memory_space<vmem>>, vector<16xf32>,
      %swap3A_192 = arith.index_cast %scan3A_107 : i32 to index
      %swap3A_193 = arith.constant 192 : index
      %swap3A_194 = tpu.vector_load %arg6[%swap3A_192, %swap3A_193] {strides = array<i32>} : memref<128x256xf32, #tpu.memory_space<vmem>>, vector<16xf32>,
      tpu.vector_store %arg6[%swap3A_192, %swap3A_193], %broadcast_in_dim3A_37 {strides = array<i32>} : memref<128x256xf32, #tpu.memory_space<vmem>>, vector<16xf32>,
      %swap3A_195 = arith.index_cast %scan3A_107 : i32 to index
      %swap3A_196 = arith.constant 208 : index
      %swap3A_197 = tpu.vector_load %arg6[%swap3A_195, %swap3A_196] {strides = array<i32>} : memref<128x256xf32, #tpu.memory_space<vmem>>, vector<16xf32>,
      tpu.vector_store %arg6[%swap3A_195, %swap3A_196], %broadcast_in_dim3A_37 {strides = array<i32>} : memref<128x256xf32, #tpu.memory_space<vmem>>, vector<16xf32>,
      %swap3A_198 = arith.index_cast %scan3A_107 : i32 to index
      %swap3A_199 = arith.constant 224 : index
      %swap3A_200 = tpu.vector_load %arg6[%swap3A_198, %swap3A_199] {strides = array<i32>} : memref<128x256xf32, #tpu.memory_space<vmem>>, vector<16xf32>,
      tpu.vector_store %arg6[%swap3A_198, %swap3A_199], %broadcast_in_dim3A_37 {strides = array<i32>} : memref<128x256xf32, #tpu.memory_space<vmem>>, vector<16xf32>,
      %swap3A_201 = arith.index_cast %scan3A_107 : i32 to index
      %swap3A_202 = arith.constant 240 : index
      %swap3A_203 = tpu.vector_load %arg6[%swap3A_201, %swap3A_202] {strides = array<i32>} : memref<128x256xf32, #tpu.memory_space<vmem>>, vector<16xf32>,
      tpu.vector_store %arg6[%swap3A_201, %swap3A_202], %broadcast_in_dim3A_37 {strides = array<i32>} : memref<128x256xf32, #tpu.memory_space<vmem>>, vector<16xf32>,
      %scan3A_204 = arith.constant 0 : i32
      scf.yield %scan3A_204 : i32
    }
    %scan3A_43 = arith.constant 128 : i32
    %dma_wait3A = tpu.memref_slice %arg2[%mul3A_2] : memref<262144xi32, #tpu.memory_space<hbm>> -> memref<8192xi32, #tpu.memory_space<hbm>>
    %dma_wait3A_44 = tpu.memref_slice %arg2[%mul3A_2] : memref<262144xi32, #tpu.memory_space<hbm>> -> memref<8192xi32, #tpu.memory_space<hbm>>
    tpu.wait_dma2 semaphore(%arg9 : memref<!tpu.dma_semaphore, #tpu.memory_space<semaphore_mem>>) src(%dma_wait3A_44 : memref<8192xi32, #tpu.memory_space<hbm>>) dst(%arg4 : memref<8192xi32, #tpu.memory_space<vmem>>)
    %get3A = arith.constant 0 : index
    %get3A_45 = tpu.vector_load %arg4[%get3A] {strides = array<i32>} : memref<8192xi32, #tpu.memory_space<vmem>>, vector<16xi32>,
    tpu.vector_store_idx %arg5[%add3A_6, %get3A_45], %broadcast_in_dim3A_35 : memref<128x256xf32, #tpu.memory_space<vmem>>[vector<16xi32>, vector<16xi32>], vector<16xf32>,
    %get3A_46 = arith.constant 16 : index
    %get3A_47 = tpu.vector_load %arg4[%get3A_46] {strides = array<i32>} : memref<8192xi32, #tpu.memory_space<vmem>>, vector<16xi32>,
    tpu.vector_store_idx %arg5[%add3A_10, %get3A_47], %broadcast_in_dim3A_35 : memref<128x256xf32, #tpu.memory_space<vmem>>[vector<16xi32>, vector<16xi32>], vector<16xf32>,
    %get3A_48 = arith.constant 32 : index
    %get3A_49 = tpu.vector_load %arg4[%get3A_48] {strides = array<i32>} : memref<8192xi32, #tpu.memory_space<vmem>>, vector<16xi32>,
    tpu.vector_store_idx %arg5[%add3A_14, %get3A_49], %broadcast_in_dim3A_35 : memref<128x256xf32, #tpu.memory_space<vmem>>[vector<16xi32>, vector<16xi32>], vector<16xf32>,
    %get3A_50 = arith.constant 48 : index
    %get3A_51 = tpu.vector_load %arg4[%get3A_50] {strides = array<i32>} : memref<8192xi32, #tpu.memory_space<vmem>>, vector<16xi32>,
    tpu.vector_store_idx %arg5[%add3A_18, %get3A_51], %broadcast_in_dim3A_35 : memref<128x256xf32, #tpu.memory_space<vmem>>[vector<16xi32>, vector<16xi32>], vector<16xf32>,
    %get3A_52 = arith.constant 64 : index
    %get3A_53 = tpu.vector_load %arg4[%get3A_52] {strides = array<i32>} : memref<8192xi32, #tpu.memory_space<vmem>>, vector<16xi32>,
    tpu.vector_store_idx %arg5[%add3A_22, %get3A_53], %broadcast_in_dim3A_35 : memref<128x256xf32, #tpu.memory_space<vmem>>[vector<16xi32>, vector<16xi32>], vector<16xf32>,
    %get3A_54 = arith.constant 80 : index
    %get3A_55 = tpu.vector_load %arg4[%get3A_54] {strides = array<i32>} : memref<8192xi32, #tpu.memory_space<vmem>>, vector<16xi32>,
    tpu.vector_store_idx %arg5[%add3A_26, %get3A_55], %broadcast_in_dim3A_35 : memref<128x256xf32, #tpu.memory_space<vmem>>[vector<16xi32>, vector<16xi32>], vector<16xf32>,
    %get3A_56 = arith.constant 96 : index
    %get3A_57 = tpu.vector_load %arg4[%get3A_56] {strides = array<i32>} : memref<8192xi32, #tpu.memory_space<vmem>>, vector<16xi32>,
    tpu.vector_store_idx %arg5[%add3A_30, %get3A_57], %broadcast_in_dim3A_35 : memref<128x256xf32, #tpu.memory_space<vmem>>[vector<16xi32>, vector<16xi32>], vector<16xf32>,
    %get3A_58 = arith.constant 112 : index
    %get3A_59 = tpu.vector_load %arg4[%get3A_58] {strides = array<i32>} : memref<8192xi32, #tpu.memory_space<vmem>>, vector<16xi32>,
    tpu.vector_store_idx %arg5[%add3A_34, %get3A_59], %broadcast_in_dim3A_35 : memref<128x256xf32, #tpu.memory_space<vmem>>[vector<16xi32>, vector<16xi32>], vector<16xf32>,
    %add3A_60 = arith.constant 0 : i32
    %add3A_61 = arith.addi %mul3A_2, %add3A_60 : i32
    %dma_start3A_62 = arith.constant 0 : i32
    %dma_start3A_63 = tpu.memref_slice %arg3[%add3A_61, %dma_start3A_62] : memref<262144x256xf32, #tpu.memory_space<hbm>> -> memref<128x256xf32, #tpu.memory_space<hbm>>
    %dma_start3A_64 = arith.constant 0 : i32
    %dma_start3A_65 = tpu.memref_slice %arg3[%add3A_61, %dma_start3A_64] : memref<262144x256xf32, #tpu.memory_space<hbm>> -> memref<128x256xf32, #tpu.memory_space<hbm>>
    tpu.enqueue_dma source(%arg5 : memref<128x256xf32, #tpu.memory_space<vmem>>) target(%dma_start3A_65 : memref<128x256xf32, #tpu.memory_space<hbm>>) target_semaphore(%arg7 : memref<!tpu.dma_semaphore, #tpu.memory_space<semaphore_mem>>)
    %get3A_66 = arith.constant 128 : index
    %get3A_67 = tpu.vector_load %arg4[%get3A_66] {strides = array<i32>} : memref<8192xi32, #tpu.memory_space<vmem>>, vector<16xi32>,
    tpu.vector_store_idx %arg6[%add3A_6, %get3A_67], %broadcast_in_dim3A_35 : memref<128x256xf32, #tpu.memory_space<vmem>>[vector<16xi32>, vector<16xi32>], vector<16xf32>,
    %get3A_68 = arith.constant 144 : index
    %get3A_69 = tpu.vector_load %arg4[%get3A_68] {strides = array<i32>} : memref<8192xi32, #tpu.memory_space<vmem>>, vector<16xi32>,
    tpu.vector_store_idx %arg6[%add3A_10, %get3A_69], %broadcast_in_dim3A_35 : memref<128x256xf32, #tpu.memory_space<vmem>>[vector<16xi32>, vector<16xi32>], vector<16xf32>,
    %get3A_70 = arith.constant 160 : index
    %get3A_71 = tpu.vector_load %arg4[%get3A_70] {strides = array<i32>} : memref<8192xi32, #tpu.memory_space<vmem>>, vector<16xi32>,
    tpu.vector_store_idx %arg6[%add3A_14, %get3A_71], %broadcast_in_dim3A_35 : memref<128x256xf32, #tpu.memory_space<vmem>>[vector<16xi32>, vector<16xi32>], vector<16xf32>,
    %get3A_72 = arith.constant 176 : index
    %get3A_73 = tpu.vector_load %arg4[%get3A_72] {strides = array<i32>} : memref<8192xi32, #tpu.memory_space<vmem>>, vector<16xi32>,
    tpu.vector_store_idx %arg6[%add3A_18, %get3A_73], %broadcast_in_dim3A_35 : memref<128x256xf32, #tpu.memory_space<vmem>>[vector<16xi32>, vector<16xi32>], vector<16xf32>,
    %get3A_74 = arith.constant 192 : index
    %get3A_75 = tpu.vector_load %arg4[%get3A_74] {strides = array<i32>} : memref<8192xi32, #tpu.memory_space<vmem>>, vector<16xi32>,
    tpu.vector_store_idx %arg6[%add3A_22, %get3A_75], %broadcast_in_dim3A_35 : memref<128x256xf32, #tpu.memory_space<vmem>>[vector<16xi32>, vector<16xi32>], vector<16xf32>,
    %get3A_76 = arith.constant 208 : index
    %get3A_77 = tpu.vector_load %arg4[%get3A_76] {strides = array<i32>} : memref<8192xi32, #tpu.memory_space<vmem>>, vector<16xi32>,
    tpu.vector_store_idx %arg6[%add3A_26, %get3A_77], %broadcast_in_dim3A_35 : memref<128x256xf32, #tpu.memory_space<vmem>>[vector<16xi32>, vector<16xi32>], vector<16xf32>,
    %get3A_78 = arith.constant 224 : index
    %get3A_79 = tpu.vector_load %arg4[%get3A_78] {strides = array<i32>} : memref<8192xi32, #tpu.memory_space<vmem>>, vector<16xi32>,
    tpu.vector_store_idx %arg6[%add3A_30, %get3A_79], %broadcast_in_dim3A_35 : memref<128x256xf32, #tpu.memory_space<vmem>>[vector<16xi32>, vector<16xi32>], vector<16xf32>,
    %get3A_80 = arith.constant 240 : index
    %get3A_81 = tpu.vector_load %arg4[%get3A_80] {strides = array<i32>} : memref<8192xi32, #tpu.memory_space<vmem>>, vector<16xi32>,
    tpu.vector_store_idx %arg6[%add3A_34, %get3A_81], %broadcast_in_dim3A_35 : memref<128x256xf32, #tpu.memory_space<vmem>>[vector<16xi32>, vector<16xi32>], vector<16xf32>,
    %add3A_82 = arith.constant 128 : i32
    %add3A_83 = arith.addi %mul3A_2, %add3A_82 : i32
    %dma_start3A_84 = arith.constant 0 : i32
    %dma_start3A_85 = tpu.memref_slice %arg3[%add3A_83, %dma_start3A_84] : memref<262144x256xf32, #tpu.memory_space<hbm>> -> memref<128x256xf32, #tpu.memory_space<hbm>>
    %dma_start3A_86 = arith.constant 0 : i32
    %dma_start3A_87 = tpu.memref_slice %arg3[%add3A_83, %dma_start3A_86] : memref<262144x256xf32, #tpu.memory_space<hbm>> -> memref<128x256xf32, #tpu.memory_space<hbm>>
    tpu.enqueue_dma source(%arg6 : memref<128x256xf32, #tpu.memory_space<vmem>>) target(%dma_start3A_87 : memref<128x256xf32, #tpu.memory_space<hbm>>) target_semaphore(%arg8 : memref<!tpu.dma_semaphore, #tpu.memory_space<semaphore_mem>>)
    %scan3A_88 = arith.constant 0 : i32
    %scan3A_89 = arith.constant 1 : i32
    %scan3A_90 = arith.constant 31 : i32
    %scan3A_91 = arith.addi %scan3A_89, %scan3A_90 : i32
    %scan3A_92 = arith.constant 1 : i32
    %scan3A_93 = scf.for %scan3A_107 = %scan3A_89 to %scan3A_91 step %scan3A_92 iter_args(%scan3A_108 = %scan3A_88) -> (i32)  : i32 {
      %mul3A_109 = arith.constant 2 : i32
      %mul3A_110 = arith.muli %scan3A_107, %mul3A_109 : i32
      %sub3A = arith.constant 2 : i32
      %sub3A_111 = arith.subi %mul3A_110, %sub3A : i32
      %add3A_112 = arith.constant 0 : i32
      %add3A_113 = arith.addi %sub3A_111, %add3A_112 : i32
      %mul3A_114 = arith.constant 128 : i32
      %mul3A_115 = arith.muli %add3A_113, %mul3A_114 : i32
      %add3A_116 = arith.addi %mul3A_2, %mul3A_115 : i32
      %dma_wait3A_117 = arith.constant 0 : i32
      %dma_wait3A_118 = tpu.memref_slice %arg3[%add3A_116, %dma_wait3A_117] : memref<262144x256xf32, #tpu.memory_space<hbm>> -> memref<128x256xf32, #tpu.memory_space<hbm>>
      %dma_wait3A_119 = arith.constant 0 : i32
      %dma_wait3A_120 = tpu.memref_slice %arg3[%add3A_116, %dma_wait3A_119] : memref<262144x256xf32, #tpu.memory_space<hbm>> -> memref<128x256xf32, #tpu.memory_space<hbm>>
      tpu.wait_dma2 semaphore(%arg7 : memref<!tpu.dma_semaphore, #tpu.memory_space<semaphore_mem>>) src(%arg5 : memref<128x256xf32, #tpu.memory_space<vmem>>) dst(%dma_wait3A_120 : memref<128x256xf32, #tpu.memory_space<hbm>>)
      %sub3A_121 = arith.constant 2 : i32
      %sub3A_122 = arith.subi %mul3A_110, %sub3A_121 : i32
      %add3A_123 = arith.constant 0 : i32
      %add3A_124 = arith.addi %sub3A_122, %add3A_123 : i32
      %mul3A_125 = arith.constant 128 : i32
      %mul3A_126 = arith.muli %add3A_124, %mul3A_125 : i32
      %add3A_127 = arith.constant 0 : i32
      %add3A_128 = arith.addi %mul3A_126, %add3A_127 : i32
      %get3A_129 = arith.index_cast %add3A_128 : i32 to index
      %get3A_130 = tpu.vector_load %arg4[%get3A_129] {strides = array<i32>} : memref<8192xi32, #tpu.memory_space<vmem>>, vector<16xi32>,
      tpu.vector_store_idx %arg5[%add3A_6, %get3A_130], %broadcast_in_dim3A_37 : memref<128x256xf32, #tpu.memory_space<vmem>>[vector<16xi32>, vector<16xi32>], vector<16xf32>,
      %mul3A_131 = arith.constant 128 : i32
      %mul3A_132 = arith.muli %add3A_124, %mul3A_131 : i32
      %add3A_133 = arith.constant 16 : i32
      %add3A_134 = arith.addi %mul3A_132, %add3A_133 : i32
      %get3A_135 = arith.index_cast %add3A_134 : i32 to index
      %get3A_136 = tpu.vector_load %arg4[%get3A_135] {strides = array<i32>} : memref<8192xi32, #tpu.memory_space<vmem>>, vector<16xi32>,
      tpu.vector_store_idx %arg5[%add3A_10, %get3A_136], %broadcast_in_dim3A_37 : memref<128x256xf32, #tpu.memory_space<vmem>>[vector<16xi32>, vector<16xi32>], vector<16xf32>,
      %mul3A_137 = arith.constant 128 : i32
      %mul3A_138 = arith.muli %add3A_124, %mul3A_137 : i32
      %add3A_139 = arith.constant 32 : i32
      %add3A_140 = arith.addi %mul3A_138, %add3A_139 : i32
      %get3A_141 = arith.index_cast %add3A_140 : i32 to index
      %get3A_142 = tpu.vector_load %arg4[%get3A_141] {strides = array<i32>} : memref<8192xi32, #tpu.memory_space<vmem>>, vector<16xi32>,
      tpu.vector_store_idx %arg5[%add3A_14, %get3A_142], %broadcast_in_dim3A_37 : memref<128x256xf32, #tpu.memory_space<vmem>>[vector<16xi32>, vector<16xi32>], vector<16xf32>,
      %mul3A_143 = arith.constant 128 : i32
      %mul3A_144 = arith.muli %add3A_124, %mul3A_143 : i32
      %add3A_145 = arith.constant 48 : i32
      %add3A_146 = arith.addi %mul3A_144, %add3A_145 : i32
      %get3A_147 = arith.index_cast %add3A_146 : i32 to index
      %get3A_148 = tpu.vector_load %arg4[%get3A_147] {strides = array<i32>} : memref<8192xi32, #tpu.memory_space<vmem>>, vector<16xi32>,
      tpu.vector_store_idx %arg5[%add3A_18, %get3A_148], %broadcast_in_dim3A_37 : memref<128x256xf32, #tpu.memory_space<vmem>>[vector<16xi32>, vector<16xi32>], vector<16xf32>,
      %mul3A_149 = arith.constant 128 : i32
      %mul3A_150 = arith.muli %add3A_124, %mul3A_149 : i32
      %add3A_151 = arith.constant 64 : i32
      %add3A_152 = arith.addi %mul3A_150, %add3A_151 : i32
      %get3A_153 = arith.index_cast %add3A_152 : i32 to index
      %get3A_154 = tpu.vector_load %arg4[%get3A_153] {strides = array<i32>} : memref<8192xi32, #tpu.memory_space<vmem>>, vector<16xi32>,
      tpu.vector_store_idx %arg5[%add3A_22, %get3A_154], %broadcast_in_dim3A_37 : memref<128x256xf32, #tpu.memory_space<vmem>>[vector<16xi32>, vector<16xi32>], vector<16xf32>,
      %mul3A_155 = arith.constant 128 : i32
      %mul3A_156 = arith.muli %add3A_124, %mul3A_155 : i32
      %add3A_157 = arith.constant 80 : i32
      %add3A_158 = arith.addi %mul3A_156, %add3A_157 : i32
      %get3A_159 = arith.index_cast %add3A_158 : i32 to index
      %get3A_160 = tpu.vector_load %arg4[%get3A_159] {strides = array<i32>} : memref<8192xi32, #tpu.memory_space<vmem>>, vector<16xi32>,
      tpu.vector_store_idx %arg5[%add3A_26, %get3A_160], %broadcast_in_dim3A_37 : memref<128x256xf32, #tpu.memory_space<vmem>>[vector<16xi32>, vector<16xi32>], vector<16xf32>,
      %mul3A_161 = arith.constant 128 : i32
      %mul3A_162 = arith.muli %add3A_124, %mul3A_161 : i32
      %add3A_163 = arith.constant 96 : i32
      %add3A_164 = arith.addi %mul3A_162, %add3A_163 : i32
      %get3A_165 = arith.index_cast %add3A_164 : i32 to index
      %get3A_166 = tpu.vector_load %arg4[%get3A_165] {strides = array<i32>} : memref<8192xi32, #tpu.memory_space<vmem>>, vector<16xi32>,
      tpu.vector_store_idx %arg5[%add3A_30, %get3A_166], %broadcast_in_dim3A_37 : memref<128x256xf32, #tpu.memory_space<vmem>>[vector<16xi32>, vector<16xi32>], vector<16xf32>,
      %mul3A_167 = arith.constant 128 : i32
      %mul3A_168 = arith.muli %add3A_124, %mul3A_167 : i32
      %add3A_169 = arith.constant 112 : i32
      %add3A_170 = arith.addi %mul3A_168, %add3A_169 : i32
      %get3A_171 = arith.index_cast %add3A_170 : i32 to index
      %get3A_172 = tpu.vector_load %arg4[%get3A_171] {strides = array<i32>} : memref<8192xi32, #tpu.memory_space<vmem>>, vector<16xi32>,
      tpu.vector_store_idx %arg5[%add3A_34, %get3A_172], %broadcast_in_dim3A_37 : memref<128x256xf32, #tpu.memory_space<vmem>>[vector<16xi32>, vector<16xi32>], vector<16xf32>,
      %add3A_173 = arith.constant 0 : i32
      %add3A_174 = arith.addi %mul3A_110, %add3A_173 : i32
      %mul3A_175 = arith.constant 128 : i32
      %mul3A_176 = arith.muli %add3A_174, %mul3A_175 : i32
      %add3A_177 = arith.constant 0 : i32
      %add3A_178 = arith.addi %mul3A_176, %add3A_177 : i32
      %get3A_179 = arith.index_cast %add3A_178 : i32 to index
      %get3A_180 = tpu.vector_load %arg4[%get3A_179] {strides = array<i32>} : memref<8192xi32, #tpu.memory_space<vmem>>, vector<16xi32>,
      tpu.vector_store_idx %arg5[%add3A_6, %get3A_180], %broadcast_in_dim3A_35 : memref<128x256xf32, #tpu.memory_space<vmem>>[vector<16xi32>, vector<16xi32>], vector<16xf32>,
      %mul3A_181 = arith.constant 128 : i32
      %mul3A_182 = arith.muli %add3A_174, %mul3A_181 : i32
      %add3A_183 = arith.constant 16 : i32
      %add3A_184 = arith.addi %mul3A_182, %add3A_183 : i32
      %get3A_185 = arith.index_cast %add3A_184 : i32 to index
      %get3A_186 = tpu.vector_load %arg4[%get3A_185] {strides = array<i32>} : memref<8192xi32, #tpu.memory_space<vmem>>, vector<16xi32>,
      tpu.vector_store_idx %arg5[%add3A_10, %get3A_186], %broadcast_in_dim3A_35 : memref<128x256xf32, #tpu.memory_space<vmem>>[vector<16xi32>, vector<16xi32>], vector<16xf32>,
      %mul3A_187 = arith.constant 128 : i32
      %mul3A_188 = arith.muli %add3A_174, %mul3A_187 : i32
      %add3A_189 = arith.constant 32 : i32
      %add3A_190 = arith.addi %mul3A_188, %add3A_189 : i32
      %get3A_191 = arith.index_cast %add3A_190 : i32 to index
      %get3A_192 = tpu.vector_load %arg4[%get3A_191] {strides = array<i32>} : memref<8192xi32, #tpu.memory_space<vmem>>, vector<16xi32>,
      tpu.vector_store_idx %arg5[%add3A_14, %get3A_192], %broadcast_in_dim3A_35 : memref<128x256xf32, #tpu.memory_space<vmem>>[vector<16xi32>, vector<16xi32>], vector<16xf32>,
      %mul3A_193 = arith.constant 128 : i32
      %mul3A_194 = arith.muli %add3A_174, %mul3A_193 : i32
      %add3A_195 = arith.constant 48 : i32
      %add3A_196 = arith.addi %mul3A_194, %add3A_195 : i32
      %get3A_197 = arith.index_cast %add3A_196 : i32 to index
      %get3A_198 = tpu.vector_load %arg4[%get3A_197] {strides = array<i32>} : memref<8192xi32, #tpu.memory_space<vmem>>, vector<16xi32>,
      tpu.vector_store_idx %arg5[%add3A_18, %get3A_198], %broadcast_in_dim3A_35 : memref<128x256xf32, #tpu.memory_space<vmem>>[vector<16xi32>, vector<16xi32>], vector<16xf32>,
      %mul3A_199 = arith.constant 128 : i32
      %mul3A_200 = arith.muli %add3A_174, %mul3A_199 : i32
      %add3A_201 = arith.constant 64 : i32
      %add3A_202 = arith.addi %mul3A_200, %add3A_201 : i32
      %get3A_203 = arith.index_cast %add3A_202 : i32 to index
      %get3A_204 = tpu.vector_load %arg4[%get3A_203] {strides = array<i32>} : memref<8192xi32, #tpu.memory_space<vmem>>, vector<16xi32>,
      tpu.vector_store_idx %arg5[%add3A_22, %get3A_204], %broadcast_in_dim3A_35 : memref<128x256xf32, #tpu.memory_space<vmem>>[vector<16xi32>, vector<16xi32>], vector<16xf32>,
      %mul3A_205 = arith.constant 128 : i32
      %mul3A_206 = arith.muli %add3A_174, %mul3A_205 : i32
      %add3A_207 = arith.constant 80 : i32
      %add3A_208 = arith.addi %mul3A_206, %add3A_207 : i32
      %get3A_209 = arith.index_cast %add3A_208 : i32 to index
      %get3A_210 = tpu.vector_load %arg4[%get3A_209] {strides = array<i32>} : memref<8192xi32, #tpu.memory_space<vmem>>, vector<16xi32>,
      tpu.vector_store_idx %arg5[%add3A_26, %get3A_210], %broadcast_in_dim3A_35 : memref<128x256xf32, #tpu.memory_space<vmem>>[vector<16xi32>, vector<16xi32>], vector<16xf32>,
      %mul3A_211 = arith.constant 128 : i32
      %mul3A_212 = arith.muli %add3A_174, %mul3A_211 : i32
      %add3A_213 = arith.constant 96 : i32
      %add3A_214 = arith.addi %mul3A_212, %add3A_213 : i32
      %get3A_215 = arith.index_cast %add3A_214 : i32 to index
      %get3A_216 = tpu.vector_load %arg4[%get3A_215] {strides = array<i32>} : memref<8192xi32, #tpu.memory_space<vmem>>, vector<16xi32>,
      tpu.vector_store_idx %arg5[%add3A_30, %get3A_216], %broadcast_in_dim3A_35 : memref<128x256xf32, #tpu.memory_space<vmem>>[vector<16xi32>, vector<16xi32>], vector<16xf32>,
      %mul3A_217 = arith.constant 128 : i32
      %mul3A_218 = arith.muli %add3A_174, %mul3A_217 : i32
      %add3A_219 = arith.constant 112 : i32
      %add3A_220 = arith.addi %mul3A_218, %add3A_219 : i32
      %get3A_221 = arith.index_cast %add3A_220 : i32 to index
      %get3A_222 = tpu.vector_load %arg4[%get3A_221] {strides = array<i32>} : memref<8192xi32, #tpu.memory_space<vmem>>, vector<16xi32>,
      tpu.vector_store_idx %arg5[%add3A_34, %get3A_222], %broadcast_in_dim3A_35 : memref<128x256xf32, #tpu.memory_space<vmem>>[vector<16xi32>, vector<16xi32>], vector<16xf32>,
      %add3A_223 = arith.constant 0 : i32
      %add3A_224 = arith.addi %mul3A_110, %add3A_223 : i32
      %mul3A_225 = arith.constant 128 : i32
      %mul3A_226 = arith.muli %add3A_224, %mul3A_225 : i32
      %add3A_227 = arith.addi %mul3A_2, %mul3A_226 : i32
      %dma_start3A_228 = arith.constant 0 : i32
      %dma_start3A_229 = tpu.memref_slice %arg3[%add3A_227, %dma_start3A_228] : memref<262144x256xf32, #tpu.memory_space<hbm>> -> memref<128x256xf32, #tpu.memory_space<hbm>>
      %dma_start3A_230 = arith.constant 0 : i32
      %dma_start3A_231 = tpu.memref_slice %arg3[%add3A_227, %dma_start3A_230] : memref<262144x256xf32, #tpu.memory_space<hbm>> -> memref<128x256xf32, #tpu.memory_space<hbm>>
      tpu.enqueue_dma source(%arg5 : memref<128x256xf32, #tpu.memory_space<vmem>>) target(%dma_start3A_231 : memref<128x256xf32, #tpu.memory_space<hbm>>) target_semaphore(%arg7 : memref<!tpu.dma_semaphore, #tpu.memory_space<semaphore_mem>>)
      %sub3A_232 = arith.constant 2 : i32
      %sub3A_233 = arith.subi %mul3A_110, %sub3A_232 : i32
      %add3A_234 = arith.constant 1 : i32
      %add3A_235 = arith.addi %sub3A_233, %add3A_234 : i32
      %mul3A_236 = arith.constant 128 : i32
      %mul3A_237 = arith.muli %add3A_235, %mul3A_236 : i32
      %add3A_238 = arith.addi %mul3A_2, %mul3A_237 : i32
      %dma_wait3A_239 = arith.constant 0 : i32
      %dma_wait3A_240 = tpu.memref_slice %arg3[%add3A_238, %dma_wait3A_239] : memref<262144x256xf32, #tpu.memory_space<hbm>> -> memref<128x256xf32, #tpu.memory_space<hbm>>
      %dma_wait3A_241 = arith.constant 0 : i32
      %dma_wait3A_242 = tpu.memref_slice %arg3[%add3A_238, %dma_wait3A_241] : memref<262144x256xf32, #tpu.memory_space<hbm>> -> memref<128x256xf32, #tpu.memory_space<hbm>>
      tpu.wait_dma2 semaphore(%arg8 : memref<!tpu.dma_semaphore, #tpu.memory_space<semaphore_mem>>) src(%arg6 : memref<128x256xf32, #tpu.memory_space<vmem>>) dst(%dma_wait3A_242 : memref<128x256xf32, #tpu.memory_space<hbm>>)
      %sub3A_243 = arith.constant 2 : i32
      %sub3A_244 = arith.subi %mul3A_110, %sub3A_243 : i32
      %add3A_245 = arith.constant 1 : i32
      %add3A_246 = arith.addi %sub3A_244, %add3A_245 : i32
      %mul3A_247 = arith.constant 128 : i32
      %mul3A_248 = arith.muli %add3A_246, %mul3A_247 : i32
      %add3A_249 = arith.constant 0 : i32
      %add3A_250 = arith.addi %mul3A_248, %add3A_249 : i32
      %get3A_251 = arith.index_cast %add3A_250 : i32 to index
      %get3A_252 = tpu.vector_load %arg4[%get3A_251] {strides = array<i32>} : memref<8192xi32, #tpu.memory_space<vmem>>, vector<16xi32>,
      tpu.vector_store_idx %arg6[%add3A_6, %get3A_252], %broadcast_in_dim3A_37 : memref<128x256xf32, #tpu.memory_space<vmem>>[vector<16xi32>, vector<16xi32>], vector<16xf32>,
      %mul3A_253 = arith.constant 128 : i32
      %mul3A_254 = arith.muli %add3A_246, %mul3A_253 : i32
      %add3A_255 = arith.constant 16 : i32
      %add3A_256 = arith.addi %mul3A_254, %add3A_255 : i32
      %get3A_257 = arith.index_cast %add3A_256 : i32 to index
      %get3A_258 = tpu.vector_load %arg4[%get3A_257] {strides = array<i32>} : memref<8192xi32, #tpu.memory_space<vmem>>, vector<16xi32>,
      tpu.vector_store_idx %arg6[%add3A_10, %get3A_258], %broadcast_in_dim3A_37 : memref<128x256xf32, #tpu.memory_space<vmem>>[vector<16xi32>, vector<16xi32>], vector<16xf32>,
      %mul3A_259 = arith.constant 128 : i32
      %mul3A_260 = arith.muli %add3A_246, %mul3A_259 : i32
      %add3A_261 = arith.constant 32 : i32
      %add3A_262 = arith.addi %mul3A_260, %add3A_261 : i32
      %get3A_263 = arith.index_cast %add3A_262 : i32 to index
      %get3A_264 = tpu.vector_load %arg4[%get3A_263] {strides = array<i32>} : memref<8192xi32, #tpu.memory_space<vmem>>, vector<16xi32>,
      tpu.vector_store_idx %arg6[%add3A_14, %get3A_264], %broadcast_in_dim3A_37 : memref<128x256xf32, #tpu.memory_space<vmem>>[vector<16xi32>, vector<16xi32>], vector<16xf32>,
      %mul3A_265 = arith.constant 128 : i32
      %mul3A_266 = arith.muli %add3A_246, %mul3A_265 : i32
      %add3A_267 = arith.constant 48 : i32
      %add3A_268 = arith.addi %mul3A_266, %add3A_267 : i32
      %get3A_269 = arith.index_cast %add3A_268 : i32 to index
      %get3A_270 = tpu.vector_load %arg4[%get3A_269] {strides = array<i32>} : memref<8192xi32, #tpu.memory_space<vmem>>, vector<16xi32>,
      tpu.vector_store_idx %arg6[%add3A_18, %get3A_270], %broadcast_in_dim3A_37 : memref<128x256xf32, #tpu.memory_space<vmem>>[vector<16xi32>, vector<16xi32>], vector<16xf32>,
      %mul3A_271 = arith.constant 128 : i32
      %mul3A_272 = arith.muli %add3A_246, %mul3A_271 : i32
      %add3A_273 = arith.constant 64 : i32
      %add3A_274 = arith.addi %mul3A_272, %add3A_273 : i32
      %get3A_275 = arith.index_cast %add3A_274 : i32 to index
      %get3A_276 = tpu.vector_load %arg4[%get3A_275] {strides = array<i32>} : memref<8192xi32, #tpu.memory_space<vmem>>, vector<16xi32>,
      tpu.vector_store_idx %arg6[%add3A_22, %get3A_276], %broadcast_in_dim3A_37 : memref<128x256xf32, #tpu.memory_space<vmem>>[vector<16xi32>, vector<16xi32>], vector<16xf32>,
      %mul3A_277 = arith.constant 128 : i32
      %mul3A_278 = arith.muli %add3A_246, %mul3A_277 : i32
      %add3A_279 = arith.constant 80 : i32
      %add3A_280 = arith.addi %mul3A_278, %add3A_279 : i32
      %get3A_281 = arith.index_cast %add3A_280 : i32 to index
      %get3A_282 = tpu.vector_load %arg4[%get3A_281] {strides = array<i32>} : memref<8192xi32, #tpu.memory_space<vmem>>, vector<16xi32>,
      tpu.vector_store_idx %arg6[%add3A_26, %get3A_282], %broadcast_in_dim3A_37 : memref<128x256xf32, #tpu.memory_space<vmem>>[vector<16xi32>, vector<16xi32>], vector<16xf32>,
      %mul3A_283 = arith.constant 128 : i32
      %mul3A_284 = arith.muli %add3A_246, %mul3A_283 : i32
      %add3A_285 = arith.constant 96 : i32
      %add3A_286 = arith.addi %mul3A_284, %add3A_285 : i32
      %get3A_287 = arith.index_cast %add3A_286 : i32 to index
      %get3A_288 = tpu.vector_load %arg4[%get3A_287] {strides = array<i32>} : memref<8192xi32, #tpu.memory_space<vmem>>, vector<16xi32>,
      tpu.vector_store_idx %arg6[%add3A_30, %get3A_288], %broadcast_in_dim3A_37 : memref<128x256xf32, #tpu.memory_space<vmem>>[vector<16xi32>, vector<16xi32>], vector<16xf32>,
      %mul3A_289 = arith.constant 128 : i32
      %mul3A_290 = arith.muli %add3A_246, %mul3A_289 : i32
      %add3A_291 = arith.constant 112 : i32
      %add3A_292 = arith.addi %mul3A_290, %add3A_291 : i32
      %get3A_293 = arith.index_cast %add3A_292 : i32 to index
      %get3A_294 = tpu.vector_load %arg4[%get3A_293] {strides = array<i32>} : memref<8192xi32, #tpu.memory_space<vmem>>, vector<16xi32>,
      tpu.vector_store_idx %arg6[%add3A_34, %get3A_294], %broadcast_in_dim3A_37 : memref<128x256xf32, #tpu.memory_space<vmem>>[vector<16xi32>, vector<16xi32>], vector<16xf32>,
      %add3A_295 = arith.constant 1 : i32
      %add3A_296 = arith.addi %mul3A_110, %add3A_295 : i32
      %mul3A_297 = arith.constant 128 : i32
      %mul3A_298 = arith.muli %add3A_296, %mul3A_297 : i32
      %add3A_299 = arith.constant 0 : i32
      %add3A_300 = arith.addi %mul3A_298, %add3A_299 : i32
      %get3A_301 = arith.index_cast %add3A_300 : i32 to index
      %get3A_302 = tpu.vector_load %arg4[%get3A_301] {strides = array<i32>} : memref<8192xi32, #tpu.memory_space<vmem>>, vector<16xi32>,
      tpu.vector_store_idx %arg6[%add3A_6, %get3A_302], %broadcast_in_dim3A_35 : memref<128x256xf32, #tpu.memory_space<vmem>>[vector<16xi32>, vector<16xi32>], vector<16xf32>,
      %mul3A_303 = arith.constant 128 : i32
      %mul3A_304 = arith.muli %add3A_296, %mul3A_303 : i32
      %add3A_305 = arith.constant 16 : i32
      %add3A_306 = arith.addi %mul3A_304, %add3A_305 : i32
      %get3A_307 = arith.index_cast %add3A_306 : i32 to index
      %get3A_308 = tpu.vector_load %arg4[%get3A_307] {strides = array<i32>} : memref<8192xi32, #tpu.memory_space<vmem>>, vector<16xi32>,
      tpu.vector_store_idx %arg6[%add3A_10, %get3A_308], %broadcast_in_dim3A_35 : memref<128x256xf32, #tpu.memory_space<vmem>>[vector<16xi32>, vector<16xi32>], vector<16xf32>,
      %mul3A_309 = arith.constant 128 : i32
      %mul3A_310 = arith.muli %add3A_296, %mul3A_309 : i32
      %add3A_311 = arith.constant 32 : i32
      %add3A_312 = arith.addi %mul3A_310, %add3A_311 : i32
      %get3A_313 = arith.index_cast %add3A_312 : i32 to index
      %get3A_314 = tpu.vector_load %arg4[%get3A_313] {strides = array<i32>} : memref<8192xi32, #tpu.memory_space<vmem>>, vector<16xi32>,
      tpu.vector_store_idx %arg6[%add3A_14, %get3A_314], %broadcast_in_dim3A_35 : memref<128x256xf32, #tpu.memory_space<vmem>>[vector<16xi32>, vector<16xi32>], vector<16xf32>,
      %mul3A_315 = arith.constant 128 : i32
      %mul3A_316 = arith.muli %add3A_296, %mul3A_315 : i32
      %add3A_317 = arith.constant 48 : i32
      %add3A_318 = arith.addi %mul3A_316, %add3A_317 : i32
      %get3A_319 = arith.index_cast %add3A_318 : i32 to index
      %get3A_320 = tpu.vector_load %arg4[%get3A_319] {strides = array<i32>} : memref<8192xi32, #tpu.memory_space<vmem>>, vector<16xi32>,
      tpu.vector_store_idx %arg6[%add3A_18, %get3A_320], %broadcast_in_dim3A_35 : memref<128x256xf32, #tpu.memory_space<vmem>>[vector<16xi32>, vector<16xi32>], vector<16xf32>,
      %mul3A_321 = arith.constant 128 : i32
      %mul3A_322 = arith.muli %add3A_296, %mul3A_321 : i32
      %add3A_323 = arith.constant 64 : i32
      %add3A_324 = arith.addi %mul3A_322, %add3A_323 : i32
      %get3A_325 = arith.index_cast %add3A_324 : i32 to index
      %get3A_326 = tpu.vector_load %arg4[%get3A_325] {strides = array<i32>} : memref<8192xi32, #tpu.memory_space<vmem>>, vector<16xi32>,
      tpu.vector_store_idx %arg6[%add3A_22, %get3A_326], %broadcast_in_dim3A_35 : memref<128x256xf32, #tpu.memory_space<vmem>>[vector<16xi32>, vector<16xi32>], vector<16xf32>,
      %mul3A_327 = arith.constant 128 : i32
      %mul3A_328 = arith.muli %add3A_296, %mul3A_327 : i32
      %add3A_329 = arith.constant 80 : i32
      %add3A_330 = arith.addi %mul3A_328, %add3A_329 : i32
      %get3A_331 = arith.index_cast %add3A_330 : i32 to index
      %get3A_332 = tpu.vector_load %arg4[%get3A_331] {strides = array<i32>} : memref<8192xi32, #tpu.memory_space<vmem>>, vector<16xi32>,
      tpu.vector_store_idx %arg6[%add3A_26, %get3A_332], %broadcast_in_dim3A_35 : memref<128x256xf32, #tpu.memory_space<vmem>>[vector<16xi32>, vector<16xi32>], vector<16xf32>,
      %mul3A_333 = arith.constant 128 : i32
      %mul3A_334 = arith.muli %add3A_296, %mul3A_333 : i32
      %add3A_335 = arith.constant 96 : i32
      %add3A_336 = arith.addi %mul3A_334, %add3A_335 : i32
      %get3A_337 = arith.index_cast %add3A_336 : i32 to index
      %get3A_338 = tpu.vector_load %arg4[%get3A_337] {strides = array<i32>} : memref<8192xi32, #tpu.memory_space<vmem>>, vector<16xi32>,
      tpu.vector_store_idx %arg6[%add3A_30, %get3A_338], %broadcast_in_dim3A_35 : memref<128x256xf32, #tpu.memory_space<vmem>>[vector<16xi32>, vector<16xi32>], vector<16xf32>,
      %mul3A_339 = arith.constant 128 : i32
      %mul3A_340 = arith.muli %add3A_296, %mul3A_339 : i32
      %add3A_341 = arith.constant 112 : i32
      %add3A_342 = arith.addi %mul3A_340, %add3A_341 : i32
      %get3A_343 = arith.index_cast %add3A_342 : i32 to index
      %get3A_344 = tpu.vector_load %arg4[%get3A_343] {strides = array<i32>} : memref<8192xi32, #tpu.memory_space<vmem>>, vector<16xi32>,
      tpu.vector_store_idx %arg6[%add3A_34, %get3A_344], %broadcast_in_dim3A_35 : memref<128x256xf32, #tpu.memory_space<vmem>>[vector<16xi32>, vector<16xi32>], vector<16xf32>,
      %add3A_345 = arith.constant 1 : i32
      %add3A_346 = arith.addi %mul3A_110, %add3A_345 : i32
      %mul3A_347 = arith.constant 128 : i32
      %mul3A_348 = arith.muli %add3A_346, %mul3A_347 : i32
      %add3A_349 = arith.addi %mul3A_2, %mul3A_348 : i32
      %dma_start3A_350 = arith.constant 0 : i32
      %dma_start3A_351 = tpu.memref_slice %arg3[%add3A_349, %dma_start3A_350] : memref<262144x256xf32, #tpu.memory_space<hbm>> -> memref<128x256xf32, #tpu.memory_space<hbm>>
      %dma_start3A_352 = arith.constant 0 : i32
      %dma_start3A_353 = tpu.memref_slice %arg3[%add3A_349, %dma_start3A_352] : memref<262144x256xf32, #tpu.memory_space<hbm>> -> memref<128x256xf32, #tpu.memory_space<hbm>>
      tpu.enqueue_dma source(%arg6 : memref<128x256xf32, #tpu.memory_space<vmem>>) target(%dma_start3A_353 : memref<128x256xf32, #tpu.memory_space<hbm>>) target_semaphore(%arg8 : memref<!tpu.dma_semaphore, #tpu.memory_space<semaphore_mem>>)
      %scan3A_354 = arith.constant 0 : i32
      scf.yield %scan3A_354 : i32
    }
    %scan3A_94 = arith.constant 31 : i32
    %add3A_95 = arith.constant 7936 : i32
    %add3A_96 = arith.addi %mul3A_2, %add3A_95 : i32
    %dma_wait3A_97 = arith.constant 0 : i32
    %dma_wait3A_98 = tpu.memref_slice %arg3[%add3A_96, %dma_wait3A_97] : memref<262144x256xf32, #tpu.memory_space<hbm>> -> memref<128x256xf32, #tpu.memory_space<hbm>>
    %dma_wait3A_99 = arith.constant 0 : i32
    %dma_wait3A_100 = tpu.memref_slice %arg3[%add3A_96, %dma_wait3A_99] : memref<262144x256xf32, #tpu.memory_space<hbm>> -> memref<128x256xf32, #tpu.memory_space<hbm>>
    tpu.wait_dma2 semaphore(%arg7 : memref<!tpu.dma_semaphore, #tpu.memory_space<semaphore_mem>>) src(%arg5 : memref<128x256xf32, #tpu.memory_space<vmem>>) dst(%dma_wait3A_100 : memref<128x256xf32, #tpu.memory_space<hbm>>)
    %add3A_101 = arith.constant 8064 : i32
    %add3A_102 = arith.addi %mul3A_2, %add3A_101 : i32
    %dma_wait3A_103 = arith.constant 0 : i32
    %dma_wait3A_104 = tpu.memref_slice %arg3[%add3A_102, %dma_wait3A_103] : memref<262144x256xf32, #tpu.memory_space<hbm>> -> memref<128x256xf32, #tpu.memory_space<hbm>>
    %dma_wait3A_105 = arith.constant 0 : i32
    %dma_wait3A_106 = tpu.memref_slice %arg3[%add3A_102, %dma_wait3A_105] : memref<262144x256xf32, #tpu.memory_space<hbm>> -> memref<128x256xf32, #tpu.memory_space<hbm>>
    tpu.wait_dma2 semaphore(%arg8 : memref<!tpu.dma_semaphore, #tpu.memory_space<semaphore_mem>>) src(%arg6 : memref<128x256xf32, #tpu.memory_space<vmem>>) dst(%dma_wait3A_106 : memref<128x256xf32, #tpu.memory_space<hbm>>)
    return
  }
}

</mosaic_0001>

<sc_bundles>
// kernel: kernel.3.cloned.1.call-start
scs
__scs_entry_jumppad:
0x0: {  	(pc) =	sbr.rel $0x88, $3  }
0x1: {  	(tag) =	ssettag $0x0;
	lr =	simm.s32 $0x1  }
0x2: {  	[smem:$0x3FA0] =	sst lr;
	_ =	strace $0xD0000000  }
0x3: {  	_ = 	snop  }
0x4: {  	_ = 	snop  }
0x5: {  	_ = 	snop  }
0x6: {  	_ = 	snop  }
0x7: {  	_ = 	snop  }
__scs_overlays_trampoline_lowered:
0x8: {  	[smem:$0x3FAF] =	sst s0  }
0x9: {  	[smem:$0x3FB0] =	sst s1  }
0xa: {  	[smem:$0x3FB1] =	sst s2  }
0xb: {  	[smem:$0x3FB2] =	sst s3  }
0xc: {  	[smem:$0x3FB3] =	sst s4  }
0xd: {  	[smem:$0x3FB4] =	sst s5  }
0xe: {  	[smem:$0x3FB5] =	sst s6  }
0xf: {  	[smem:$0x3FB6] =	sst s7  }
0x10: {  	[smem:$0x3FB7] =	sst s8  }
0x11: {  	[smem:$0x3FB8] =	sst s9;
	s0 =	simm.s32 @!p0 $0x0  }
0x12: {  	s1 =	sld [smem:$0x3F9E];
	s0 =	simm.s32 @p0 $0x1  }
0x13: {  	[smem:$0x3FB9] =	sst s0;
	s0 =	simm.s32 @!p1 $0x0  }
0x14: {  	s2 =	sld [smem:$0x3F9D];
	s0 =	simm.s32 @p1 $0x1  }
0x15: {  	[smem:$0x3FBA] =	sst s0;
	s0 =	simm.s32 @!p2 $0x0  }
0x16: {  	s3 =	sld [smem:$0x3FDB];
	s0 =	simm.s32 @p2 $0x1  }
0x17: {  	s4 =	simm.s32 $0x1BF5;
	[smem:$0x3FBC] =	sst s0  }
0x18: {  	s0 =	sld [smem:$0x3F9F];
	_ =	swait.ge [sflag:s4], $0x0  }
0x19: {  	s7 =	sld [smem:$0x3FA0]  }
0x1a: {  	s8 =	sadd.s32 $0xFFFFE003, lr  }
0x1b: {  	s9 =	sadd.s32 $0xFFFFFEF7, lr;
	s5 =	simm.s32 $0xFFFFFFFF;
	p2 =	slt.u32 s8, $0xFFFFF086  }
0x1c: {  	p1 =	slt.u32 s9, $0xF7A;
	s5 =	simm.s32 @!p2 $0x0  }
0x1d: {  	s5 =	simm.s32 @p1 $0x1;
	p0 =	seq.s32 s7, s2  }
0x1e: {  	s7 =	smul.u32 @!p0 $0xF7A, s2;
	p2 =	seq.s32 @!p0 s5, $0x0  }
0x1f: {  	s9 =	smul.u32 $0xF7A, s1;
	s8 =	simm.s32 @!p0 $0x1BF5;
	p2 =	por !p2, p0  }
0x20: {  	[sflag:s8] =	ssyncset.s32 @!p0 $0xFFFFF086;
	s6 =	sadd.s32 @!p0 s3, s7;
	s7 =	simm.s32 @!p0 $0x108  }
0x21: {  	s3 =	sadd.s32 s3, s9;
	s6 =	sadd.s32 @!p0 $0x88, s6;
	s7 =	simm.s32 @p2 $0x1082  }
0x22: {  	[simem:s7], [sflag:s8] =	dma.local @!p0 [hbm:s6], $0xF7A  }
0x23: {  	s9 =	sor.u32 $0xD0000000, s2;
	s6 =	simm.s32 $0x108;
	_ =	swait.ge @!p0 [sflag:s8], $0x0  }
0x24: {  	s3 =	sadd.s32 $0x88, s3;
	s6 =	simm.s32 @!p1 $0x1082;
	[sflag:s4] =	ssyncset.s32 $0xFFFFF086  }
0x25: {  	[simem:s6], [sflag:s4] =	dma.local [hbm:s3], $0xF7A  }
0x26: {  	[smem:$0x3FA0] =	sst s1;
	(tag) =	ssettag s2;
	_ =	strace s9  }
0x27: {  	s1 =	sld [smem:$0x3FB0]  }
0x28: {  	s2 =	sld [smem:$0x3FB1]  }
0x29: {  	s4 =	sld [smem:$0x3FB3]  }
0x2a: {  	p0 =	seq.s32 s5, $0x0;
	s5 =	sld [smem:$0x3FB4]  }
0x2b: {  	s6 =	sld [smem:$0x3FB5]  }
0x2c: {  	s7 =	sld [smem:$0x3FB6]  }
0x2d: {  	s3 =	simm.s32 $0x108;
	s8 =	sld [smem:$0x3FB7]  }
0x2e: {  	s3 =	simm.s32 @!p0 $0x1082;
	s9 =	sld [smem:$0x3FB8]  }
0x2f: {  	lr =	sadd.s32 s0, s3;
	s0 =	sld [smem:$0x3FAF]  }
0x30: {  	s3 =	sld [smem:$0x3FB2]  }
0x31: {  	[smem:$0x3FBB] =	sst s10  }
0x32: {  	s10 =	sld [smem:$0x3FB9];
	_ =	sdelay $0x3  }
0x33: {  	p0 =	seq.s32 s10, $0x1;
	s10 =	sld [smem:$0x3FBB];
	_ =	sdelay $0x3  }
0x34: {  	[smem:$0x3FBB] =	sst s10  }
0x35: {  	s10 =	sld [smem:$0x3FBA];
	_ =	sdelay $0x3  }
0x36: {  	p1 =	seq.s32 s10, $0x1;
	s10 =	sld [smem:$0x3FBB];
	_ =	sdelay $0x3  }
0x37: {  	[smem:$0x3FBB] =	sst s10  }
0x38: {  	s10 =	sld [smem:$0x3FBC]  }
0x39: {  	_ = 	snop;
	(pc) =	sbr.ind lr, $3  }
0x3a: {  	_ = 	snop  }
0x3b: {  	_ = 	snop  }
0x3c: {  	p2 =	seq.s32 s10, $0x1;
	s10 =	sld [smem:$0x3FBB]  }
0x3d: {  	_ =	shalt  }
0x3e: {  	_ =	shalt  }
0x3f: {  	_ =	shalt  }
0x40: {  	_ =	shalt  }
0x41: {  	_ =	shalt  }
0x42: {  	_ =	shalt  }
0x43: {  	_ =	shalt  }
0x44: {  	_ =	shalt  }
0x45: {  	_ =	shalt  }
0x46: {  	_ =	shalt  }
0x47: {  	_ =	shalt  }
0x48: {  	_ =	shalt  }
0x49: {  	_ =	shalt  }
0x4a: {  	_ =	shalt  }
0x4b: {  	_ =	shalt  }
0x4c: {  	_ =	shalt  }
0x4d: {  	_ =	shalt  }
0x4e: {  	_ =	shalt  }
0x4f: {  	_ =	shalt  }
0x50: {  	_ =	shalt  }
0x51: {  	_ =	shalt  }
0x52: {  	_ =	shalt  }
0x53: {  	_ =	shalt  }
0x54: {  	_ =	shalt  }
0x55: {  	_ =	shalt  }
0x56: {  	_ =	shalt  }
0x57: {  	_ =	shalt  }
0x58: {  	_ =	shalt  }
0x59: {  	_ =	shalt  }
0x5a: {  	_ =	shalt  }
0x5b: {  	_ =	shalt  }
0x5c: {  	_ =	shalt  }
0x5d: {  	_ =	shalt  }
0x5e: {  	_ =	shalt  }
0x5f: {  	_ =	shalt  }
0x60: {  	_ =	shalt  }
0x61: {  	_ =	shalt  }
0x62: {  	_ =	shalt  }
0x63: {  	_ =	shalt  }
0x64: {  	_ =	shalt  }
0x65: {  	_ =	shalt  }
0x66: {  	_ =	shalt  }
0x67: {  	_ =	shalt  }
0x68: {  	_ =	shalt  }
0x69: {  	_ =	shalt  }
0x6a: {  	_ =	shalt  }
0x6b: {  	_ =	shalt  }
0x6c: {  	_ =	shalt  }
0x6d: {  	_ =	shalt  }
0x6e: {  	_ =	shalt  }
0x6f: {  	_ =	shalt  }
0x70: {  	_ =	shalt  }
0x71: {  	_ =	shalt  }
0x72: {  	_ =	shalt  }
0x73: {  	_ =	shalt  }
0x74: {  	_ =	shalt  }
0x75: {  	_ =	shalt  }
0x76: {  	_ =	shalt  }
0x77: {  	_ =	shalt  }
0x78: {  	_ =	shalt  }
0x79: {  	_ =	shalt  }
0x7a: {  	_ =	shalt  }
0x7b: {  	_ =	shalt  }
0x7c: {  	_ =	shalt  }
0x7d: {  	_ =	shalt  }
0x7e: {  	_ =	shalt  }
0x7f: {  	_ =	shalt  }
0x80: {  	_ =	shalt  }
0x81: {  	_ =	shalt  }
0x82: {  	_ =	shalt  }
0x83: {  	_ =	shalt  }
0x84: {  	_ =	shalt  }
0x85: {  	_ =	shalt  }
0x86: {  	_ =	shalt  }
0x87: {  	_ =	shalt  }
.Lfunc_end0:
.L_simem_size_0:
called_computation_lowered:
.L_overlay_start_0:
0x88: {  	s2 =	sld [smem:$0x3FD9]  }
0x89: {  	s3 =	sld [smem:$0x3FFE];
	_ =	sdelay $0x1  }
0x8a: {  	s1 =	srdreg.scid  }
0x8b: {  	s0 =	sand.u32 $0x1, s1  }
0x8c: {  	s18 =	sshll.u32 s0, $0xA;
	s2 =	sadd.s32 s3, s2  }
0x8d: {  	s2 =	sadd.s32 s2, s18  }
0x8e: {  	[smem:$0x3FC7] =	sst s2  }
0x8f: {  	_ = 	snop  }
0x90: {  	s2 =	sld [smem:$0x3FC9]  }
0x91: {  	s19 =	sld [smem:$0x3FD0];
	(tm) =	ssettm $0x1  }
0x92: {  	s4 =	sld [smem:$0x3FFB];
	_ =	sdelay $0x3  }
0x93: {  	_ =	strace s4  }
0x94: {  	s4 =	sld [smem:$0x3FFC];
	_ =	sdelay $0x3  }
0x95: {  	_ =	strace s4  }
0x96: {  	s4 =	sld [smem:$0x3FFD];
	_ =	sdelay $0x3  }
0x97: {  	_ =	strace s4  }
0x98: {  	_ =	strace $0x8FFFFFFF  }
0x99: {  	s20 =	sld [smem:$0x3FDB];
	_ =	sdelay $0x1  }
0x9a: {  	s5 =	simm.s32 $_scs_section_size  }
0x9b: {  	s6 =	simm.s32 $_size__tile_overlayer_lowered;
	s7 =	simm.s32 $_tile_overlayer_lowered  }
0x9c: {  	s23 =	simm.s32 $0x1BFF;
	s22 =	sshll.u32 s7, $0x1;
	s4 =	sadd.s32 s5, s20  }
0x9d: {  	s8 =	simm.s32 $0x0;
	s21 =	sshll.u32 s6, $0x1;
	s6 =	sadd.s32 s22, s4  }
0x9e: {  	[timem:s8], [sflag:s23] =	dma.local [hbm:s6], s21  }
0x9f: {  	_ =	swait.ge [sflag:s23], s21  }
0xa0: {  	s5 =	ssub.s32 $0x0, s21;
	[sflag:s23] =	ssyncset.done $0x0  }
0xa1: {  	[sflag:s23] =	ssyncadd.s32 s5;
	_ =	sdelay $0x1  }
0xa2: {  	s24 =	simm.s32 $0x1B8B  }
0xa3: {  	_ =	swait.ge [sflag:s24], $0x1  }
0xa4: {  	[sflag:s24] =	ssyncset.done $0x0  }
0xa5: {  	s25 =	simm.s32 $0x1B8E;
	[sflag:s24] =	ssyncadd.s32 $0xFFFFFFFF  }
0xa6: {  	s26 =	simm.s32 $execute0_lowered;
	[smem:$0x3FD2] =	sst s25  }
0xa7: {  	s5 =	sshll.u32 s26, $0x1;
	_ =	strace $0x80000046;
	[dreg:$0x1] =	wrdreg $0xFFFFFFFF  }
0xa8: {  	s28 =	simm.s32 $_size_execute0_lowered;
	s4 =	sadd.s32 s4, s5;
	[dreg:$0x0] =	wrdreg $0x0  }
0xa9: {  	s5 =	sshll.u32 s28, $0x1;
	[dreg:$0x2] =	wrdreg s4  }
0xaa: {  	[dreg:$0x3] =	wrdreg s5  }
0xab: {  	[dreg:$0x4] =	wrdreg $0xC0  }
0xac: {  	_ =	task [dreg:s8], $0x5FFFF  }
0xad: {  	[dreg:$0x1] =	wrdreg $0xFFFFFFFF  }
0xae: {  	[dreg:$0x0] =	wrdreg $0x60  }
0xaf: {  	[dreg:$0x2] =	wrdreg s2  }
0xb0: {  	[dreg:$0x3] =	wrdreg s19  }
0xb1: {  	[dreg:$0x4] =	wrdreg $0x9  }
0xb2: {  	_ =	task.clear_ibuf [dreg:s8], $0x5FFFF;
	_ =	strace $0x90000046  }
0xb3: {  	s29 =	simm.s32 $0x9;
	_ =	strace $0x80000048  }
0xb4: {  	_ =	swait.ge [sflag:s29], $0x1  }
0xb5: {  	[sflag:s29] =	ssyncadd.s32 $0xFFFFFFFF  }
0xb6: {  	_ =	strace $0x90000048  }
0xb7: {  	_ =	sfence  }
0xb8: {  	s30 =	sld [smem:$0x0];
	_ =	sdelay $0x2  }
0xb9: {  	s31 =	sshll.u32 s1, $0xD;
	s1 =	sshrl.u32 s1, $0x2  }
0xba: {  	s3 =	sand.u32 $0x4000, s31;
	s1 =	sadd.s32 s1, s30  }
0xbb: {  	s0 =	sor.u32 s3, s0;
	s1 =	sshll.u32 s1, $0x11  }
0xbc: {  	s0 =	sor.u32 s1, s0  }
0xbd: {  	s0 =	sadd.s32 $0x8F2B, s0  }
0xbe: {  	[sflag:s0] =	ssyncadd.remote.s32 $0x1  }
0xbf: {  	_ =	sfence.sel $0xFFFF  }
0xc0: {  	[dreg:$0x0] =	wrdreg $0xFFFFFFFF;
	(pc) =	sbr.abs _section_cstart, $3  }
0xc1: {  	[dreg:$0x1] =	wrdreg $0xFFFFFFFF  }
0xc2: {  	_ =	task.clear_ibuf [dreg:s8], $0x2FFFF;
	_ =	strace $0x9FFFFFFF  }
0xc3: {  	(tm) =	ssettm $0x7FFFFFFF  }
tec
execute0_lowered:
.L_overlay_start_1:
0x0: {  	(tag) =	ssettag $0x1  }
0x1: {  	v0 =	vimm.f32 $0.0e+00  }
0x2: {  	v1 =	vimm.s32 $0xB80;
	vm12 =	vcmask $0x300;
	v2 =	vimm.s32 $0x1B80  }
0x3: {  	vm13 =	vcmask $0x704;
	vm14 =	vcmask $0xB08;
	vm11 =	vcmask $0xF0C  }
0x4: {  	vm10 =	vcmask $0x1310;
	vm9 =	vcmask $0x1714;
	vm8 =	vcmask $0x1B18  }
0x5: {  	vm7 =	vcmask $0x1F1C;
	vm6 =	vcmask $0x2320;
	vm5 =	vcmask $0x2724  }
0x6: {  	vm4 =	vcmask $0x2B28;
	vm3 =	vcmask $0x2F2C;
	vm2 =	vcmask $0x3330  }
0x7: {  	vm1 =	vcmask $0x3734;
	vm0 =	vcmask $0x3B38;
	v4 =	vimm.s32 $0x2B80  }
0x8: {  	v5 =	vimm.s32 $0x3B80;
	v6 =	vimm.s32 $0x4B80;
	v7 =	vimm.s32 $0x5B80  }
0x9: {  	v8 =	vimm.s32 $0x6B80;
	v9 =	vimm.s32 $0x7B80;
	v1 =	vsel vm12, $0x0, v1  }
0xa: {  	v2 =	vsel vm12, $0x1000, v2;
	v4 =	vsel vm12, $0x2000, v4;
	v5 =	vsel vm12, $0x3000, v5  }
0xb: {  	v6 =	vsel vm12, $0x4000, v6;
	v7 =	vsel vm12, $0x5000, v7;
	v8 =	vsel vm12, $0x6000, v8  }
0xc: {  	v9 =	vsel vm12, $0x7000, v9;
	v1 =	vsel vm13, $0x80, v1;
	v2 =	vsel vm13, $0x1080, v2  }
0xd: {  	v4 =	vsel vm13, $0x2080, v4;
	v5 =	vsel vm13, $0x3080, v5;
	v6 =	vsel vm13, $0x4080, v6  }
0xe: {  	v7 =	vsel vm13, $0x5080, v7;
	v8 =	vsel vm13, $0x6080, v8;
	v9 =	vsel vm13, $0x7080, v9  }
0xf: {  	v1 =	vsel vm14, $0x100, v1;
	v2 =	vsel vm14, $0x1100, v2;
	v4 =	vsel vm14, $0x2100, v4  }
0x10: {  	v5 =	vsel vm14, $0x3100, v5;
	v6 =	vsel vm14, $0x4100, v6;
	v7 =	vsel vm14, $0x5100, v7  }
0x11: {  	v8 =	vsel vm14, $0x6100, v8;
	v9 =	vsel vm14, $0x7100, v9;
	v1 =	vsel vm11, $0x180, v1  }
0x12: {  	v2 =	vsel vm11, $0x1180, v2;
	v4 =	vsel vm11, $0x2180, v4;
	v5 =	vsel vm11, $0x3180, v5  }
0x13: {  	v6 =	vsel vm11, $0x4180, v6;
	v7 =	vsel vm11, $0x5180, v7;
	v8 =	vsel vm11, $0x6180, v8  }
0x14: {  	v9 =	vsel vm11, $0x7180, v9;
	v1 =	vsel vm10, $0x200, v1;
	v2 =	vsel vm10, $0x1200, v2  }
0x15: {  	v4 =	vsel vm10, $0x2200, v4;
	v5 =	vsel vm10, $0x3200, v5;
	v6 =	vsel vm10, $0x4200, v6  }
0x16: {  	v7 =	vsel vm10, $0x5200, v7;
	v8 =	vsel vm10, $0x6200, v8;
	v9 =	vsel vm10, $0x7200, v9  }
0x17: {  	v1 =	vsel vm9, $0x280, v1;
	v2 =	vsel vm9, $0x1280, v2;
	v4 =	vsel vm9, $0x2280, v4  }
0x18: {  	v5 =	vsel vm9, $0x3280, v5;
	v6 =	vsel vm9, $0x4280, v6;
	v7 =	vsel vm9, $0x5280, v7  }
0x19: {  	v8 =	vsel vm9, $0x6280, v8;
	v9 =	vsel vm9, $0x7280, v9;
	v1 =	vsel vm8, $0x300, v1  }
0x1a: {  	v2 =	vsel vm8, $0x1300, v2;
	v4 =	vsel vm8, $0x2300, v4;
	v5 =	vsel vm8, $0x3300, v5  }
0x1b: {  	v6 =	vsel vm8, $0x4300, v6;
	v7 =	vsel vm8, $0x5300, v7;
	v8 =	vsel vm8, $0x6300, v8  }
0x1c: {  	v9 =	vsel vm8, $0x7300, v9;
	v1 =	vsel vm7, $0x380, v1;
	v2 =	vsel vm7, $0x1380, v2  }
0x1d: {  	v4 =	vsel vm7, $0x2380, v4;
	v5 =	vsel vm7, $0x3380, v5;
	v6 =	vsel vm7, $0x4380, v6  }
0x1e: {  	v7 =	vsel vm7, $0x5380, v7;
	v8 =	vsel vm7, $0x6380, v8;
	v9 =	vsel vm7, $0x7380, v9  }
0x1f: {  	v1 =	vsel vm6, $0x800, v1;
	v2 =	vsel vm6, $0x1800, v2;
	v4 =	vsel vm6, $0x2800, v4  }
0x20: {  	v5 =	vsel vm6, $0x3800, v5;
	v6 =	vsel vm6, $0x4800, v6;
	v7 =	vsel vm6, $0x5800, v7  }
0x21: {  	v8 =	vsel vm6, $0x6800, v8;
	v9 =	vsel vm6, $0x7800, v9;
	v1 =	vsel vm5, $0x880, v1  }
0x22: {  	v2 =	vsel vm5, $0x1880, v2;
	v4 =	vsel vm5, $0x2880, v4;
	v5 =	vsel vm5, $0x3880, v5  }
0x23: {  	v6 =	vsel vm5, $0x4880, v6;
	v7 =	vsel vm5, $0x5880, v7;
	v8 =	vsel vm5, $0x6880, v8  }
0x24: {  	v9 =	vsel vm5, $0x7880, v9;
	v1 =	vsel vm4, $0x900, v1;
	v2 =	vsel vm4, $0x1900, v2  }
0x25: {  	v4 =	vsel vm4, $0x2900, v4;
	v5 =	vsel vm4, $0x3900, v5;
	v6 =	vsel vm4, $0x4900, v6  }
0x26: {  	s3 =	rddreg [dreg:$0x0];
	v7 =	vsel vm4, $0x5900, v7;
	v8 =	vsel vm4, $0x6900, v8;
	v9 =	vsel vm4, $0x7900, v9  }
0x27: {  	s5 =	rddreg [dreg:$0x1];
	v1 =	vsel vm3, $0x980, v1;
	v2 =	vsel vm3, $0x1980, v2;
	v4 =	vsel vm3, $0x2980, v4  }
0x28: {  	s0 =	rddreg [dreg:$0x2];
	s4 =	srdreg.scid;
	v5 =	vsel vm3, $0x3980, v5;
	v6 =	vsel vm3, $0x4980, v6;
	v7 =	vsel vm3, $0x5980, v7  }
0x29: {  	s2 =	simm.s32 $0x0;
	s1 =	stileid.u32;
	s10 =	simm.s32 $0xA000;
	v8 =	vsel vm3, $0x6980, v8;
	v9 =	vsel vm3, $0x7980, v9;
	v1 =	vsel vm2, $0xA00, v1  }
0x2a: {  	s11 =	simm.s32 $0x1;
	s12 =	simm.s32 $0x2;
	s13 =	simm.s32 $0x0;
	v2 =	vsel vm2, $0x1A00, v2;
	v4 =	vsel vm2, $0x2A00, v4;
	v5 =	vsel vm2, $0x3A00, v5  }
0x2b: {  	s6 =	sand.u32 $0x1, s4;
	s7 =	sshll.u32 s1, $0xE;
	[smem:$0x7FF] =	sst s2;
	v6 =	vsel vm2, $0x4A00, v6;
	v7 =	vsel vm2, $0x5A00, v7;
	v8 =	vsel vm2, $0x6A00, v8  }
0x2c: {  	s30 =	sshll.u32 s1, $0x13;
	s4 =	ssub.s32 $0x2, s6;
	s8 =	sshll.u32 s6, $0xD;
	v9 =	vsel vm2, $0x7A00, v9;
	v1 =	vsel vm1, $0xA80, v1;
	v3 =	vsel vm1, $0x1A80, v2  }
0x2d: {  	_ =	strace $0x80000047;
	s31 =	sshll.u32 s6, $0x12;
	s9 =	sshrl.u32 s4, $0x1;
	v2 =	vimm.f32 $1.000000000e+00;
	v4 =	vsel vm1, $0x2A80, v4;
	v5 =	vsel vm1, $0x3A80, v5  }
0x2e: {  	s7 =	sor.u32 s8, s7;
	s8 =	simm.s32 $0x3;
	s26 =	ssub.s32 s4, s9;
	v6 =	vsel vm1, $0x4A80, v6;
	v7 =	vsel vm1, $0x5A80, v7;
	v8 =	vsel vm1, $0x6A80, v8  }
0x2f: {  	s28 =	sshrl.u32 s7, $0x3;
	s29 =	sshll.u32 s7, $0x5;
	s7 =	sadd.s32 s30, s5;
	v9 =	vsel vm1, $0x7A80, v9;
	v1 =	vsel vm0, $0xB00, v1;
	v3 =	vsel vm0, $0x1B00, v3  }
0x30: {  	s9 =	simm.s32 $0x2000;
	s3 =	sadd.s32 s3, s28;
	s4 =	sadd.s32 s5, s29;
	v4 =	vsel vm0, $0x2B00, v4;
	v5 =	vsel vm0, $0x3B00, v5;
	v6 =	vsel vm0, $0x4B00, v6  }
0x31: {  	s6 =	smax.u32 s26, $0x1;
	s7 =	sadd.s32 s31, s7;
	s5 =	sadd.s32 $0x1000, s4;
	v7 =	vsel vm0, $0x5B00, v7;
	v8 =	vsel vm0, $0x6B00, v8;
	v9 =	vsel vm0, $0x7B00, v9  }
.LBB2_1:
0x32: {  	[tilespmem:s2], [sflag:$0x3] =	stream.linear.gather [hbm4b:s3+s2], $0x2000, $0x38;
	[tilespmem:$0x12000] =	vst v63  }
0x33: {  	s14 =	sand.u32 $0x7800, s2;
	s15 =	sand.u32 $0x380, s2  }
0x34: {  	s14 =	sor.u32 s15, s14  }
0x35: {  	[tilespmem:s14+$0xA470] =	vst v0  }
0x36: {  	[tilespmem:s14+$0x2000] =	vst v0  }
0x37: {  	[tilespmem:s14+$0x2010] =	vst v0  }
0x38: {  	[tilespmem:s14+$0x2020] =	vst v0  }
0x39: {  	[tilespmem:s14+$0x2030] =	vst v0  }
0x3a: {  	[tilespmem:s14+$0x2040] =	vst v0  }
0x3b: {  	[tilespmem:s14+$0x2050] =	vst v0  }
0x3c: {  	[tilespmem:s14+$0x2060] =	vst v0  }
0x3d: {  	[tilespmem:s14+$0x2070] =	vst v0  }
0x3e: {  	[tilespmem:s14+$0x2400] =	vst v0  }
0x3f: {  	[tilespmem:s14+$0x2410] =	vst v0  }
0x40: {  	[tilespmem:s14+$0x2420] =	vst v0  }
0x41: {  	[tilespmem:s14+$0x2430] =	vst v0  }
0x42: {  	[tilespmem:s14+$0x2440] =	vst v0  }
0x43: {  	[tilespmem:s14+$0x2450] =	vst v0  }
0x44: {  	[tilespmem:s14+$0x2460] =	vst v0  }
0x45: {  	[tilespmem:s14+$0x2470] =	vst v0  }
0x46: {  	[tilespmem:s14+$0xA000] =	vst v0  }
0x47: {  	[tilespmem:s14+$0xA010] =	vst v0  }
0x48: {  	[tilespmem:s14+$0xA020] =	vst v0  }
0x49: {  	[tilespmem:s14+$0xA030] =	vst v0  }
0x4a: {  	[tilespmem:s14+$0xA040] =	vst v0  }
0x4b: {  	[tilespmem:s14+$0xA050] =	vst v0  }
0x4c: {  	[tilespmem:s14+$0xA060] =	vst v0  }
0x4d: {  	[tilespmem:s14+$0xA070] =	vst v0  }
0x4e: {  	[tilespmem:s14+$0xA400] =	vst v0  }
0x4f: {  	[tilespmem:s14+$0xA410] =	vst v0  }
0x50: {  	[tilespmem:s14+$0xA420] =	vst v0  }
0x51: {  	[tilespmem:s14+$0xA430] =	vst v0  }
0x52: {  	s16 =	simm.s32 $0x100;
	s15 =	simm.s32 $0x80;
	[tilespmem:s14+$0xA440] =	vst v0  }
0x53: {  	s17 =	sand.u32 $0x7800, s16;
	s16 =	simm.s32 $0x200;
	s18 =	sand.u32 $0x380, s15;
	[tilespmem:s14+$0xA450] =	vst v0  }
.LBB2_2:
0x54: {  	p0 =	sne.s32 s16, $0x7F00;
	[tilespmem:s14+$0xA460] =	vst v0;
	s14 =	sor.u32 s18, s17  }
0x55: {  	[tilespmem:s14+$0xA470] =	vst v0  }
0x56: {  	[tilespmem:s14+$0x2000] =	vst v0  }
0x57: {  	[tilespmem:s14+$0x2010] =	vst v0  }
0x58: {  	[tilespmem:s14+$0x2020] =	vst v0  }
0x59: {  	[tilespmem:s14+$0x2030] =	vst v0  }
0x5a: {  	[tilespmem:s14+$0x2040] =	vst v0  }
0x5b: {  	[tilespmem:s14+$0x2050] =	vst v0  }
0x5c: {  	[tilespmem:s14+$0x2060] =	vst v0  }
0x5d: {  	[tilespmem:s14+$0x2070] =	vst v0  }
0x5e: {  	[tilespmem:s14+$0x2400] =	vst v0  }
0x5f: {  	[tilespmem:s14+$0x2410] =	vst v0  }
0x60: {  	[tilespmem:s14+$0x2420] =	vst v0  }
0x61: {  	[tilespmem:s14+$0x2430] =	vst v0  }
0x62: {  	[tilespmem:s14+$0x2440] =	vst v0  }
0x63: {  	[tilespmem:s14+$0x2450] =	vst v0  }
0x64: {  	[tilespmem:s14+$0x2460] =	vst v0  }
0x65: {  	[tilespmem:s14+$0x2470] =	vst v0  }
0x66: {  	[tilespmem:s14+$0xA000] =	vst v0  }
0x67: {  	[tilespmem:s14+$0xA010] =	vst v0  }
0x68: {  	[tilespmem:s14+$0xA020] =	vst v0  }
0x69: {  	[tilespmem:s14+$0xA030] =	vst v0  }
0x6a: {  	[tilespmem:s14+$0xA040] =	vst v0  }
0x6b: {  	[tilespmem:s14+$0xA050] =	vst v0  }
0x6c: {  	[tilespmem:s14+$0xA060] =	vst v0  }
0x6d: {  	[tilespmem:s14+$0xA070] =	vst v0  }
0x6e: {  	[tilespmem:s14+$0xA400] =	vst v0  }
.Ltmp0:
0x6f: {  	[tilespmem:s14+$0xA410] =	vst v0;
	(pc) =	sbr.rel @p0 .LBB2_2-.Ltmp0, $4  }
0x70: {  	[tilespmem:s14+$0xA420] =	vst v0  }
0x71: {  	[tilespmem:s14+$0xA430] =	vst v0  }
0x72: {  	s15 =	sadd.s32 $0x80, s15;
	[tilespmem:s14+$0xA440] =	vst v0  }
0x73: {  	s17 =	sand.u32 $0x7800, s16;
	s16 =	sadd.s32 $0x100, s16;
	s18 =	sand.u32 $0x380, s15;
	[tilespmem:s14+$0xA450] =	vst v0  }
0x74: {  	s15 =	sor.u32 s18, s17;
	[tilespmem:s14+$0xA460] =	vst v0  }
0x75: {  	[tilespmem:s15+$0xA470] =	vst v0  }
0x76: {  	[tilespmem:s15+$0x2000] =	vst v0  }
0x77: {  	[tilespmem:s15+$0x2010] =	vst v0  }
0x78: {  	[tilespmem:s15+$0x2020] =	vst v0  }
0x79: {  	[tilespmem:s15+$0x2030] =	vst v0  }
0x7a: {  	[tilespmem:s15+$0x2040] =	vst v0  }
0x7b: {  	[tilespmem:s15+$0x2050] =	vst v0  }
0x7c: {  	[tilespmem:s15+$0x2060] =	vst v0  }
0x7d: {  	[tilespmem:s15+$0x2070] =	vst v0  }
0x7e: {  	[tilespmem:s15+$0x2400] =	vst v0  }
0x7f: {  	[tilespmem:s15+$0x2410] =	vst v0  }
0x80: {  	[tilespmem:s15+$0x2420] =	vst v0  }
0x81: {  	[tilespmem:s15+$0x2430] =	vst v0  }
0x82: {  	[tilespmem:s15+$0x2440] =	vst v0  }
0x83: {  	[tilespmem:s15+$0x2450] =	vst v0  }
0x84: {  	[tilespmem:s15+$0x2460] =	vst v0  }
0x85: {  	[tilespmem:s15+$0x2470] =	vst v0  }
0x86: {  	[tilespmem:s15+$0xA000] =	vst v0  }
0x87: {  	[tilespmem:s15+$0xA010] =	vst v0  }
0x88: {  	[tilespmem:s15+$0xA020] =	vst v0  }
0x89: {  	[tilespmem:s15+$0xA030] =	vst v0  }
0x8a: {  	[tilespmem:s15+$0xA040] =	vst v0  }
0x8b: {  	[tilespmem:s15+$0xA050] =	vst v0  }
0x8c: {  	[tilespmem:s15+$0xA060] =	vst v0  }
0x8d: {  	[tilespmem:s15+$0xA070] =	vst v0  }
0x8e: {  	[tilespmem:s15+$0xA400] =	vst v0  }
0x8f: {  	[tilespmem:s15+$0xA410] =	vst v0  }
0x90: {  	[tilespmem:s15+$0xA420] =	vst v0  }
0x91: {  	[tilespmem:s15+$0xA430] =	vst v0  }
0x92: {  	[tilespmem:s15+$0xA440] =	vst v0  }
0x93: {  	[tilespmem:s15+$0xA450] =	vst v0  }
0x94: {  	[tilespmem:s15+$0xA460] =	vst v0  }
0x95: {  	_ =	swait.ge [sflag:s8], $0x2000  }
0x96: {  	[sflag:s8] =	ssyncset.done $0x0  }
0x97: {  	[sflag:s8] =	ssyncadd.s32 $0xFFFFE000  }
0x98: {  	v10 =	vld [tilespmem:$0x0];
	_ =	sdelay $0x4  }
0x99: {  	v11 =	vshll.u32 v10, $0x3  }
0x9a: {  	v10 =	vand.u32 $0x7F, v10;
	v11 =	vand.u32 $0xFFFFFC00, v11  }
0x9b: {  	v10 =	vor.u32 v10, v11  }
0x9c: {  	v10 =	vadd.s32 v1, v10;
	_ =	sdelay $0x4  }
0x9d: {  	[tilespmem:v10+s9+$0x0] =	vst.idx.msk $0xffff, v2  }
0x9e: {  	v10 =	vld [tilespmem:$0x10];
	_ =	sdelay $0x4  }
0x9f: {  	v11 =	vshll.u32 v10, $0x3  }
0xa0: {  	v10 =	vand.u32 $0x7F, v10;
	v11 =	vand.u32 $0xFFFFFC00, v11  }
0xa1: {  	v10 =	vor.u32 v10, v11  }
0xa2: {  	v10 =	vadd.s32 v3, v10;
	_ =	sdelay $0x4  }
0xa3: {  	[tilespmem:v10+s9+$0x0] =	vst.idx.msk $0xffff, v2  }
0xa4: {  	v10 =	vld [tilespmem:$0x20];
	_ =	sdelay $0x4  }
0xa5: {  	v11 =	vshll.u32 v10, $0x3  }
0xa6: {  	v10 =	vand.u32 $0x7F, v10;
	v11 =	vand.u32 $0xFFFFFC00, v11  }
0xa7: {  	v10 =	vor.u32 v10, v11  }
0xa8: {  	v10 =	vadd.s32 v4, v10;
	_ =	sdelay $0x4  }
0xa9: {  	[tilespmem:v10+s9+$0x0] =	vst.idx.msk $0xffff, v2  }
0xaa: {  	v10 =	vld [tilespmem:$0x30];
	_ =	sdelay $0x4  }
0xab: {  	v11 =	vshll.u32 v10, $0x3  }
0xac: {  	v10 =	vand.u32 $0x7F, v10;
	v11 =	vand.u32 $0xFFFFFC00, v11  }
0xad: {  	v10 =	vor.u32 v10, v11  }
0xae: {  	v10 =	vadd.s32 v5, v10;
	_ =	sdelay $0x4  }
0xaf: {  	[tilespmem:v10+s9+$0x0] =	vst.idx.msk $0xffff, v2  }
0xb0: {  	v10 =	vld [tilespmem:$0x40];
	_ =	sdelay $0x4  }
0xb1: {  	v11 =	vshll.u32 v10, $0x3  }
0xb2: {  	v10 =	vand.u32 $0x7F, v10;
	v11 =	vand.u32 $0xFFFFFC00, v11  }
0xb3: {  	v10 =	vor.u32 v10, v11  }
0xb4: {  	v10 =	vadd.s32 v6, v10;
	_ =	sdelay $0x4  }
0xb5: {  	[tilespmem:v10+s9+$0x0] =	vst.idx.msk $0xffff, v2  }
0xb6: {  	v10 =	vld [tilespmem:$0x50];
	_ =	sdelay $0x4  }
0xb7: {  	v11 =	vshll.u32 v10, $0x3  }
0xb8: {  	v10 =	vand.u32 $0x7F, v10;
	v11 =	vand.u32 $0xFFFFFC00, v11  }
0xb9: {  	v10 =	vor.u32 v10, v11  }
0xba: {  	v10 =	vadd.s32 v7, v10;
	_ =	sdelay $0x4  }
0xbb: {  	[tilespmem:v10+s9+$0x0] =	vst.idx.msk $0xffff, v2  }
0xbc: {  	v10 =	vld [tilespmem:$0x60];
	_ =	sdelay $0x4  }
0xbd: {  	v11 =	vshll.u32 v10, $0x3  }
0xbe: {  	v10 =	vand.u32 $0x7F, v10;
	v11 =	vand.u32 $0xFFFFFC00, v11  }
0xbf: {  	v10 =	vor.u32 v10, v11  }
0xc0: {  	v10 =	vadd.s32 v8, v10;
	_ =	sdelay $0x4  }
0xc1: {  	[tilespmem:v10+s9+$0x0] =	vst.idx.msk $0xffff, v2  }
0xc2: {  	v10 =	vld [tilespmem:$0x70];
	_ =	sdelay $0x4  }
0xc3: {  	v11 =	vshll.u32 v10, $0x3  }
0xc4: {  	v10 =	vand.u32 $0x7F, v10;
	v11 =	vand.u32 $0xFFFFFC00, v11  }
0xc5: {  	v10 =	vor.u32 v10, v11  }
0xc6: {  	v10 =	vadd.s32 v9, v10;
	_ =	sdelay $0x4  }
0xc7: {  	[tilespmem:v10+s9+$0x0] =	vst.idx.msk $0xffff, v2  }
0xc8: {  	[hbm4b:s4+s2] =	stream.linear.scatter [tilespmem:s9], [sflag:$0x1], $0x8000, $0x38;
	[tilespmem:$0x12000] =	vst v63  }
0xc9: {  	v10 =	vld [tilespmem:$0x80];
	_ =	sdelay $0x4  }
0xca: {  	v11 =	vshll.u32 v10, $0x3  }
0xcb: {  	v10 =	vand.u32 $0x7F, v10;
	v11 =	vand.u32 $0xFFFFFC00, v11  }
0xcc: {  	v10 =	vor.u32 v10, v11  }
0xcd: {  	v10 =	vadd.s32 v1, v10;
	_ =	sdelay $0x4  }
0xce: {  	[tilespmem:v10+s10+$0x0] =	vst.idx.msk $0xffff, v2  }
0xcf: {  	v10 =	vld [tilespmem:$0x90];
	_ =	sdelay $0x4  }
0xd0: {  	v11 =	vshll.u32 v10, $0x3  }
0xd1: {  	v10 =	vand.u32 $0x7F, v10;
	v11 =	vand.u32 $0xFFFFFC00, v11  }
0xd2: {  	v10 =	vor.u32 v10, v11  }
0xd3: {  	v10 =	vadd.s32 v3, v10;
	_ =	sdelay $0x4  }
0xd4: {  	[tilespmem:v10+s10+$0x0] =	vst.idx.msk $0xffff, v2  }
0xd5: {  	v10 =	vld [tilespmem:$0xA0];
	_ =	sdelay $0x4  }
0xd6: {  	v11 =	vshll.u32 v10, $0x3  }
0xd7: {  	v10 =	vand.u32 $0x7F, v10;
	v11 =	vand.u32 $0xFFFFFC00, v11  }
0xd8: {  	v10 =	vor.u32 v10, v11  }
0xd9: {  	v10 =	vadd.s32 v4, v10;
	_ =	sdelay $0x4  }
0xda: {  	[tilespmem:v10+s10+$0x0] =	vst.idx.msk $0xffff, v2  }
0xdb: {  	v10 =	vld [tilespmem:$0xB0];
	_ =	sdelay $0x4  }
0xdc: {  	v11 =	vshll.u32 v10, $0x3  }
0xdd: {  	v10 =	vand.u32 $0x7F, v10;
	v11 =	vand.u32 $0xFFFFFC00, v11  }
0xde: {  	v10 =	vor.u32 v10, v11  }
0xdf: {  	v10 =	vadd.s32 v5, v10;
	_ =	sdelay $0x4  }
0xe0: {  	[tilespmem:v10+s10+$0x0] =	vst.idx.msk $0xffff, v2  }
0xe1: {  	v10 =	vld [tilespmem:$0xC0];
	_ =	sdelay $0x4  }
0xe2: {  	v11 =	vshll.u32 v10, $0x3  }
0xe3: {  	v10 =	vand.u32 $0x7F, v10;
	v11 =	vand.u32 $0xFFFFFC00, v11  }
0xe4: {  	v10 =	vor.u32 v10, v11  }
0xe5: {  	v10 =	vadd.s32 v6, v10;
	_ =	sdelay $0x4  }
0xe6: {  	[tilespmem:v10+s10+$0x0] =	vst.idx.msk $0xffff, v2  }
0xe7: {  	v10 =	vld [tilespmem:$0xD0];
	_ =	sdelay $0x4  }
0xe8: {  	v11 =	vshll.u32 v10, $0x3  }
0xe9: {  	v10 =	vand.u32 $0x7F, v10;
	v11 =	vand.u32 $0xFFFFFC00, v11  }
0xea: {  	v10 =	vor.u32 v10, v11  }
0xeb: {  	v10 =	vadd.s32 v7, v10;
	_ =	sdelay $0x4  }
0xec: {  	[tilespmem:v10+s10+$0x0] =	vst.idx.msk $0xffff, v2  }
0xed: {  	v10 =	vld [tilespmem:$0xE0];
	_ =	sdelay $0x4  }
0xee: {  	v11 =	vshll.u32 v10, $0x3  }
0xef: {  	v10 =	vand.u32 $0x7F, v10;
	v11 =	vand.u32 $0xFFFFFC00, v11  }
0xf0: {  	v10 =	vor.u32 v10, v11  }
0xf1: {  	v10 =	vadd.s32 v8, v10;
	_ =	sdelay $0x4  }
0xf2: {  	[tilespmem:v10+s10+$0x0] =	vst.idx.msk $0xffff, v2  }
0xf3: {  	v10 =	vld [tilespmem:$0xF0];
	_ =	sdelay $0x4  }
0xf4: {  	v11 =	vshll.u32 v10, $0x3  }
0xf5: {  	v10 =	vand.u32 $0x7F, v10;
	v11 =	vand.u32 $0xFFFFFC00, v11  }
0xf6: {  	v10 =	vor.u32 v10, v11  }
0xf7: {  	v10 =	vadd.s32 v9, v10;
	_ =	sdelay $0x4  }
0xf8: {  	s14 =	simm.s32 $0xFFFC2000;
	s15 =	simm.s32 $0x100;
	[tilespmem:v10+s10+$0x0] =	vst.idx.msk $0xffff, v2  }
0xf9: {  	[hbm4b:s5+s2] =	stream.linear.scatter [tilespmem:s10], [sflag:$0x2], $0x8000, $0x38;
	[tilespmem:$0x12000] =	vst v63  }
.LBB2_4:
0xfa: {  	_ =	swait.ge [sflag:s11], $0x8000  }
0xfb: {  	[sflag:s11] =	ssyncset.done $0x0  }
0xfc: {  	[sflag:s11] =	ssyncadd.s32 $0xFFFF8000  }
0xfd: {  	v10 =	vld [tilespmem:s15+$0xFFFFFF00];
	_ =	sdelay $0x4  }
0xfe: {  	v11 =	vshll.u32 v10, $0x3  }
0xff: {  	v10 =	vand.u32 $0x7F, v10;
	v11 =	vand.u32 $0xFFFFFC00, v11  }
0x100: {  	v10 =	vor.u32 v10, v11  }
0x101: {  	v10 =	vadd.s32 v1, v10;
	_ =	sdelay $0x4  }
0x102: {  	[tilespmem:v10+s9+$0x0] =	vst.idx.msk $0xffff, v0  }
0x103: {  	v10 =	vld [tilespmem:s15+$0xFFFFFF10];
	_ =	sdelay $0x4  }
0x104: {  	v11 =	vshll.u32 v10, $0x3  }
0x105: {  	v10 =	vand.u32 $0x7F, v10;
	v11 =	vand.u32 $0xFFFFFC00, v11  }
0x106: {  	v10 =	vor.u32 v10, v11  }
0x107: {  	v10 =	vadd.s32 v3, v10;
	_ =	sdelay $0x4  }
0x108: {  	[tilespmem:v10+s9+$0x0] =	vst.idx.msk $0xffff, v0  }
0x109: {  	v10 =	vld [tilespmem:s15+$0xFFFFFF20];
	_ =	sdelay $0x4  }
0x10a: {  	v11 =	vshll.u32 v10, $0x3  }
0x10b: {  	v10 =	vand.u32 $0x7F, v10;
	v11 =	vand.u32 $0xFFFFFC00, v11  }
0x10c: {  	v10 =	vor.u32 v10, v11  }
0x10d: {  	v10 =	vadd.s32 v4, v10;
	_ =	sdelay $0x4  }
0x10e: {  	[tilespmem:v10+s9+$0x0] =	vst.idx.msk $0xffff, v0  }
0x10f: {  	v10 =	vld [tilespmem:s15+$0xFFFFFF30];
	_ =	sdelay $0x4  }
0x110: {  	v11 =	vshll.u32 v10, $0x3  }
0x111: {  	v10 =	vand.u32 $0x7F, v10;
	v11 =	vand.u32 $0xFFFFFC00, v11  }
0x112: {  	v10 =	vor.u32 v10, v11  }
0x113: {  	v10 =	vadd.s32 v5, v10;
	_ =	sdelay $0x4  }
0x114: {  	[tilespmem:v10+s9+$0x0] =	vst.idx.msk $0xffff, v0  }
0x115: {  	v10 =	vld [tilespmem:s15+$0xFFFFFF40];
	_ =	sdelay $0x4  }
0x116: {  	v11 =	vshll.u32 v10, $0x3  }
0x117: {  	v10 =	vand.u32 $0x7F, v10;
	v11 =	vand.u32 $0xFFFFFC00, v11  }
0x118: {  	v10 =	vor.u32 v10, v11  }
0x119: {  	v10 =	vadd.s32 v6, v10;
	_ =	sdelay $0x4  }
0x11a: {  	[tilespmem:v10+s9+$0x0] =	vst.idx.msk $0xffff, v0  }
0x11b: {  	v10 =	vld [tilespmem:s15+$0xFFFFFF50];
	_ =	sdelay $0x4  }
0x11c: {  	v11 =	vshll.u32 v10, $0x3  }
0x11d: {  	v10 =	vand.u32 $0x7F, v10;
	v11 =	vand.u32 $0xFFFFFC00, v11  }
0x11e: {  	v10 =	vor.u32 v10, v11  }
0x11f: {  	v10 =	vadd.s32 v7, v10;
	_ =	sdelay $0x4  }
0x120: {  	[tilespmem:v10+s9+$0x0] =	vst.idx.msk $0xffff, v0  }
0x121: {  	v10 =	vld [tilespmem:s15+$0xFFFFFF60];
	_ =	sdelay $0x4  }
0x122: {  	v11 =	vshll.u32 v10, $0x3  }
0x123: {  	v10 =	vand.u32 $0x7F, v10;
	v11 =	vand.u32 $0xFFFFFC00, v11  }
0x124: {  	v10 =	vor.u32 v10, v11  }
0x125: {  	v10 =	vadd.s32 v8, v10;
	_ =	sdelay $0x4  }
0x126: {  	[tilespmem:v10+s9+$0x0] =	vst.idx.msk $0xffff, v0  }
0x127: {  	v10 =	vld [tilespmem:s15+$0xFFFFFF70];
	_ =	sdelay $0x4  }
0x128: {  	v11 =	vshll.u32 v10, $0x3  }
0x129: {  	v10 =	vand.u32 $0x7F, v10;
	v11 =	vand.u32 $0xFFFFFC00, v11  }
0x12a: {  	v10 =	vor.u32 v10, v11  }
0x12b: {  	v10 =	vadd.s32 v9, v10;
	_ =	sdelay $0x4  }
0x12c: {  	[tilespmem:v10+s9+$0x0] =	vst.idx.msk $0xffff, v0  }
0x12d: {  	v10 =	vld [tilespmem:s15+$0x0];
	_ =	sdelay $0x4  }
0x12e: {  	v11 =	vshll.u32 v10, $0x3  }
0x12f: {  	v10 =	vand.u32 $0x7F, v10;
	v11 =	vand.u32 $0xFFFFFC00, v11  }
0x130: {  	v10 =	vor.u32 v10, v11  }
0x131: {  	v10 =	vadd.s32 v1, v10;
	_ =	sdelay $0x4  }
0x132: {  	[tilespmem:v10+s9+$0x0] =	vst.idx.msk $0xffff, v2  }
0x133: {  	v10 =	vld [tilespmem:s15+$0x10];
	_ =	sdelay $0x4  }
0x134: {  	v11 =	vshll.u32 v10, $0x3  }
0x135: {  	v10 =	vand.u32 $0x7F, v10;
	v11 =	vand.u32 $0xFFFFFC00, v11  }
0x136: {  	v10 =	vor.u32 v10, v11  }
0x137: {  	v10 =	vadd.s32 v3, v10;
	_ =	sdelay $0x4  }
0x138: {  	[tilespmem:v10+s9+$0x0] =	vst.idx.msk $0xffff, v2  }
0x139: {  	v10 =	vld [tilespmem:s15+$0x20];
	_ =	sdelay $0x4  }
0x13a: {  	v11 =	vshll.u32 v10, $0x3  }
0x13b: {  	v10 =	vand.u32 $0x7F, v10;
	v11 =	vand.u32 $0xFFFFFC00, v11  }
0x13c: {  	v10 =	vor.u32 v10, v11  }
0x13d: {  	v10 =	vadd.s32 v4, v10;
	_ =	sdelay $0x4  }
0x13e: {  	[tilespmem:v10+s9+$0x0] =	vst.idx.msk $0xffff, v2  }
0x13f: {  	v10 =	vld [tilespmem:s15+$0x30];
	_ =	sdelay $0x4  }
0x140: {  	v11 =	vshll.u32 v10, $0x3  }
0x141: {  	v10 =	vand.u32 $0x7F, v10;
	v11 =	vand.u32 $0xFFFFFC00, v11  }
0x142: {  	v10 =	vor.u32 v10, v11  }
0x143: {  	v10 =	vadd.s32 v5, v10;
	_ =	sdelay $0x4  }
0x144: {  	[tilespmem:v10+s9+$0x0] =	vst.idx.msk $0xffff, v2  }
0x145: {  	v10 =	vld [tilespmem:s15+$0x40];
	_ =	sdelay $0x4  }
0x146: {  	v11 =	vshll.u32 v10, $0x3  }
0x147: {  	v10 =	vand.u32 $0x7F, v10;
	v11 =	vand.u32 $0xFFFFFC00, v11  }
0x148: {  	v10 =	vor.u32 v10, v11  }
0x149: {  	v10 =	vadd.s32 v6, v10;
	_ =	sdelay $0x4  }
0x14a: {  	[tilespmem:v10+s9+$0x0] =	vst.idx.msk $0xffff, v2  }
0x14b: {  	v10 =	vld [tilespmem:s15+$0x50];
	_ =	sdelay $0x4  }
0x14c: {  	v11 =	vshll.u32 v10, $0x3  }
0x14d: {  	v10 =	vand.u32 $0x7F, v10;
	v11 =	vand.u32 $0xFFFFFC00, v11  }
0x14e: {  	v10 =	vor.u32 v10, v11  }
0x14f: {  	v10 =	vadd.s32 v7, v10;
	_ =	sdelay $0x4  }
0x150: {  	[tilespmem:v10+s9+$0x0] =	vst.idx.msk $0xffff, v2  }
0x151: {  	v10 =	vld [tilespmem:s15+$0x60];
	_ =	sdelay $0x4  }
0x152: {  	v11 =	vshll.u32 v10, $0x3  }
0x153: {  	v10 =	vand.u32 $0x7F, v10;
	v11 =	vand.u32 $0xFFFFFC00, v11  }
0x154: {  	v10 =	vor.u32 v10, v11  }
0x155: {  	v10 =	vadd.s32 v8, v10;
	_ =	sdelay $0x4  }
0x156: {  	[tilespmem:v10+s9+$0x0] =	vst.idx.msk $0xffff, v2  }
0x157: {  	v10 =	vld [tilespmem:s15+$0x70];
	_ =	sdelay $0x4  }
0x158: {  	v11 =	vshll.u32 v10, $0x3  }
0x159: {  	v10 =	vand.u32 $0x7F, v10;
	v11 =	vand.u32 $0xFFFFFC00, v11  }
0x15a: {  	v10 =	vor.u32 v10, v11  }
0x15b: {  	v10 =	vadd.s32 v9, v10;
	_ =	sdelay $0x3  }
0x15c: {  	s16 =	sadd.s32 s14, s7  }
0x15d: {  	s17 =	sadd.s32 $0x40000, s16;
	[tilespmem:v10+s9+$0x0] =	vst.idx.msk $0xffff, v2  }
0x15e: {  	[hbm4b:s17+s2] =	stream.linear.scatter [tilespmem:s9], [sflag:$0x1], $0x8000, $0x38;
	[tilespmem:$0x12000] =	vst v63  }
0x15f: {  	_ =	swait.ge [sflag:s12], $0x8000  }
0x160: {  	[sflag:s12] =	ssyncset.done $0x0  }
0x161: {  	[sflag:s12] =	ssyncadd.s32 $0xFFFF8000  }
0x162: {  	v10 =	vld [tilespmem:s15+$0xFFFFFF80];
	_ =	sdelay $0x4  }
0x163: {  	v11 =	vshll.u32 v10, $0x3  }
0x164: {  	v10 =	vand.u32 $0x7F, v10;
	v11 =	vand.u32 $0xFFFFFC00, v11  }
0x165: {  	v10 =	vor.u32 v10, v11  }
0x166: {  	v10 =	vadd.s32 v1, v10;
	_ =	sdelay $0x4  }
0x167: {  	[tilespmem:v10+s10+$0x0] =	vst.idx.msk $0xffff, v0  }
0x168: {  	v10 =	vld [tilespmem:s15+$0xFFFFFF90];
	_ =	sdelay $0x4  }
0x169: {  	v11 =	vshll.u32 v10, $0x3  }
0x16a: {  	v10 =	vand.u32 $0x7F, v10;
	v11 =	vand.u32 $0xFFFFFC00, v11  }
0x16b: {  	v10 =	vor.u32 v10, v11  }
0x16c: {  	v10 =	vadd.s32 v3, v10;
	_ =	sdelay $0x4  }
0x16d: {  	[tilespmem:v10+s10+$0x0] =	vst.idx.msk $0xffff, v0  }
0x16e: {  	v10 =	vld [tilespmem:s15+$0xFFFFFFA0];
	_ =	sdelay $0x4  }
0x16f: {  	v11 =	vshll.u32 v10, $0x3  }
0x170: {  	v10 =	vand.u32 $0x7F, v10;
	v11 =	vand.u32 $0xFFFFFC00, v11  }
0x171: {  	v10 =	vor.u32 v10, v11  }
0x172: {  	v10 =	vadd.s32 v4, v10;
	_ =	sdelay $0x4  }
0x173: {  	[tilespmem:v10+s10+$0x0] =	vst.idx.msk $0xffff, v0  }
0x174: {  	v10 =	vld [tilespmem:s15+$0xFFFFFFB0];
	_ =	sdelay $0x4  }
0x175: {  	v11 =	vshll.u32 v10, $0x3  }
0x176: {  	v10 =	vand.u32 $0x7F, v10;
	v11 =	vand.u32 $0xFFFFFC00, v11  }
0x177: {  	v10 =	vor.u32 v10, v11  }
0x178: {  	v10 =	vadd.s32 v5, v10;
	_ =	sdelay $0x4  }
0x179: {  	[tilespmem:v10+s10+$0x0] =	vst.idx.msk $0xffff, v0  }
0x17a: {  	v10 =	vld [tilespmem:s15+$0xFFFFFFC0];
	_ =	sdelay $0x4  }
0x17b: {  	v11 =	vshll.u32 v10, $0x3  }
0x17c: {  	v10 =	vand.u32 $0x7F, v10;
	v11 =	vand.u32 $0xFFFFFC00, v11  }
0x17d: {  	v10 =	vor.u32 v10, v11  }
0x17e: {  	v10 =	vadd.s32 v6, v10;
	_ =	sdelay $0x4  }
0x17f: {  	[tilespmem:v10+s10+$0x0] =	vst.idx.msk $0xffff, v0  }
0x180: {  	v10 =	vld [tilespmem:s15+$0xFFFFFFD0];
	_ =	sdelay $0x4  }
0x181: {  	v11 =	vshll.u32 v10, $0x3  }
0x182: {  	v10 =	vand.u32 $0x7F, v10;
	v11 =	vand.u32 $0xFFFFFC00, v11  }
0x183: {  	v10 =	vor.u32 v10, v11  }
0x184: {  	v10 =	vadd.s32 v7, v10;
	_ =	sdelay $0x4  }
0x185: {  	[tilespmem:v10+s10+$0x0] =	vst.idx.msk $0xffff, v0  }
0x186: {  	v10 =	vld [tilespmem:s15+$0xFFFFFFE0];
	_ =	sdelay $0x4  }
0x187: {  	v11 =	vshll.u32 v10, $0x3  }
0x188: {  	v10 =	vand.u32 $0x7F, v10;
	v11 =	vand.u32 $0xFFFFFC00, v11  }
0x189: {  	v10 =	vor.u32 v10, v11  }
0x18a: {  	v10 =	vadd.s32 v8, v10;
	_ =	sdelay $0x4  }
0x18b: {  	[tilespmem:v10+s10+$0x0] =	vst.idx.msk $0xffff, v0  }
0x18c: {  	v10 =	vld [tilespmem:s15+$0xFFFFFFF0];
	_ =	sdelay $0x4  }
0x18d: {  	v11 =	vshll.u32 v10, $0x3  }
0x18e: {  	v10 =	vand.u32 $0x7F, v10;
	v11 =	vand.u32 $0xFFFFFC00, v11  }
0x18f: {  	v10 =	vor.u32 v10, v11  }
0x190: {  	v10 =	vadd.s32 v9, v10;
	_ =	sdelay $0x4  }
0x191: {  	[tilespmem:v10+s10+$0x0] =	vst.idx.msk $0xffff, v0  }
0x192: {  	v10 =	vld [tilespmem:s15+$0x80];
	_ =	sdelay $0x4  }
0x193: {  	v11 =	vshll.u32 v10, $0x3  }
0x194: {  	v10 =	vand.u32 $0x7F, v10;
	v11 =	vand.u32 $0xFFFFFC00, v11  }
0x195: {  	v10 =	vor.u32 v10, v11  }
0x196: {  	v10 =	vadd.s32 v1, v10;
	_ =	sdelay $0x4  }
0x197: {  	[tilespmem:v10+s10+$0x0] =	vst.idx.msk $0xffff, v2  }
0x198: {  	v10 =	vld [tilespmem:s15+$0x90];
	_ =	sdelay $0x4  }
0x199: {  	v11 =	vshll.u32 v10, $0x3  }
0x19a: {  	v10 =	vand.u32 $0x7F, v10;
	v11 =	vand.u32 $0xFFFFFC00, v11  }
0x19b: {  	v10 =	vor.u32 v10, v11  }
0x19c: {  	v10 =	vadd.s32 v3, v10;
	_ =	sdelay $0x4  }
0x19d: {  	[tilespmem:v10+s10+$0x0] =	vst.idx.msk $0xffff, v2  }
0x19e: {  	v10 =	vld [tilespmem:s15+$0xA0];
	_ =	sdelay $0x4  }
0x19f: {  	v11 =	vshll.u32 v10, $0x3  }
0x1a0: {  	v10 =	vand.u32 $0x7F, v10;
	v11 =	vand.u32 $0xFFFFFC00, v11  }
0x1a1: {  	v10 =	vor.u32 v10, v11  }
0x1a2: {  	v10 =	vadd.s32 v4, v10;
	_ =	sdelay $0x4  }
0x1a3: {  	[tilespmem:v10+s10+$0x0] =	vst.idx.msk $0xffff, v2  }
0x1a4: {  	v10 =	vld [tilespmem:s15+$0xB0];
	_ =	sdelay $0x4  }
0x1a5: {  	v11 =	vshll.u32 v10, $0x3  }
0x1a6: {  	v10 =	vand.u32 $0x7F, v10;
	v11 =	vand.u32 $0xFFFFFC00, v11  }
0x1a7: {  	v10 =	vor.u32 v10, v11  }
0x1a8: {  	v10 =	vadd.s32 v5, v10;
	_ =	sdelay $0x4  }
0x1a9: {  	[tilespmem:v10+s10+$0x0] =	vst.idx.msk $0xffff, v2  }
0x1aa: {  	v10 =	vld [tilespmem:s15+$0xC0];
	_ =	sdelay $0x4  }
0x1ab: {  	v11 =	vshll.u32 v10, $0x3  }
0x1ac: {  	v10 =	vand.u32 $0x7F, v10;
	v11 =	vand.u32 $0xFFFFFC00, v11  }
0x1ad: {  	v10 =	vor.u32 v10, v11  }
0x1ae: {  	v10 =	vadd.s32 v6, v10;
	_ =	sdelay $0x4  }
0x1af: {  	[tilespmem:v10+s10+$0x0] =	vst.idx.msk $0xffff, v2  }
0x1b0: {  	v10 =	vld [tilespmem:s15+$0xD0];
	_ =	sdelay $0x4  }
0x1b1: {  	v11 =	vshll.u32 v10, $0x3  }
0x1b2: {  	v10 =	vand.u32 $0x7F, v10;
	v11 =	vand.u32 $0xFFFFFC00, v11  }
0x1b3: {  	v10 =	vor.u32 v10, v11  }
0x1b4: {  	v10 =	vadd.s32 v7, v10;
	_ =	sdelay $0x4  }
0x1b5: {  	[tilespmem:v10+s10+$0x0] =	vst.idx.msk $0xffff, v2  }
0x1b6: {  	v10 =	vld [tilespmem:s15+$0xE0];
	_ =	sdelay $0x4  }
0x1b7: {  	v11 =	vshll.u32 v10, $0x3  }
0x1b8: {  	v10 =	vand.u32 $0x7F, v10;
	v11 =	vand.u32 $0xFFFFFC00, v11  }
0x1b9: {  	v10 =	vor.u32 v10, v11  }
0x1ba: {  	v10 =	vadd.s32 v8, v10;
	_ =	sdelay $0x4  }
0x1bb: {  	[tilespmem:v10+s10+$0x0] =	vst.idx.msk $0xffff, v2  }
0x1bc: {  	v10 =	vld [tilespmem:s15+$0xF0];
	_ =	sdelay $0x4  }
0x1bd: {  	v11 =	vshll.u32 v10, $0x3  }
0x1be: {  	v10 =	vand.u32 $0x7F, v10;
	v11 =	vand.u32 $0xFFFFFC00, v11  }
0x1bf: {  	v10 =	vor.u32 v10, v11  }
0x1c0: {  	v10 =	vadd.s32 v9, v10  }
0x1c1: {  	p0 =	sne.s32 s14, $0xFFFFE000  }
.Ltmp1:
0x1c2: {  	_ = 	snop;
	(pc) =	sbr.rel @p0 .LBB2_4-.Ltmp1, $3  }
0x1c3: {  	_ =	sdelay $0x1  }
0x1c4: {  	s14 =	sadd.s32 $0x2000, s14;
	s16 =	sadd.s32 $0x41000, s16;
	s15 =	sadd.s32 $0x100, s15;
	[tilespmem:v10+s10+$0x0] =	vst.idx.msk $0xffff, v2  }
0x1c5: {  	[hbm4b:s16+s2] =	stream.linear.scatter [tilespmem:s10], [sflag:$0x2], $0x8000, $0x38;
	[tilespmem:$0x12000] =	vst v63  }
0x1c6: {  	s13 =	sadd.s32 $0x1, s13  }
0x1c7: {  	_ =	swait.ge [sflag:s11], $0x8000;
	p0 =	sne.s32 s13, s6  }
.Ltmp2:
0x1c8: {  	[sflag:s11] =	ssyncset.done $0x0;
	(pc) =	sbr.rel @p0 .LBB2_1-.Ltmp2, $4  }
0x1c9: {  	[sflag:s11] =	ssyncadd.s32 $0xFFFF8000  }
0x1ca: {  	_ =	swait.ge [sflag:s12], $0x8000  }
0x1cb: {  	[sflag:s12] =	ssyncset.done $0x0  }
0x1cc: {  	[sflag:s12] =	ssyncadd.s32 $0xFFFF8000  }
0x1cd: {  	_ =	sfence.sel $0x180000  }
0x1ce: {  	[bflag:$0x0] =	sbarrier.arrive $0xFFFF  }
0x1cf: {  	p0 =	sne.s32 s1, $0x0;
	_ =	strace $0x90000047  }
0x1d0: {  	s0 =	sadd.s32 @!p0 $0x100000, s0;
	[bflag:$0x2] =	sbarrier.arrive $0xFFFF  }
0x1d1: {  	[sflag:s0] =	ssyncadd.tile.s32 @!p0 $0x1;
	_ =	shalt  }
.Lfunc_end2:
_tile_overlayer_lowered:
.L_overlay_start_2:
0x1d2: {  	(tag) =	ssettag $0x2  }
0x1d3: {  	s0 =	rddreg [dreg:$0x0];
	s2 =	stileid.u32  }
0x1d4: {  	s1 =	rddreg [dreg:$0x1];
	p0 =	sne.s32 s2, $0x0  }
0x1d5: {  	s3 =	rddreg [dreg:$0x2];
	[bflag:$0x3] =	sbarrier.arrive $0xFFFF;
	s2 =	simm.s32 @!p0 $0x1C04  }
0x1d6: {  	[timem:s3], [sflag:s2] =	dma.local @!p0 [hbm:s0], s1  }
0x1d7: {  	s0 =	simm.s32 @!p0 $0x4  }
0x1d8: {  	_ =	swait.ge @!p0 [sflag:s0], s1  }
0x1d9: {  	s1 =	ssub.s32 @!p0 $0x0, s1;
	[sflag:s0] =	ssyncset.done @!p0 $0x0  }
0x1da: {  	[sflag:s0] =	ssyncadd.s32 @!p0 s1  }
0x1db: {  	[bflag:$0x3] =	sbarrier.arrive $0xFFFF  }
0x1dc: {  	_ =	shalt  }

</sc_bundles>
